<compile_context>
chip_gen: v7x
topology: tpu7x:2x2x1
jax: 0.10.2.dev20260603
libtpu: 0.0.44.dev20260713+nightly
codegen_flags: <defaults>
</compile_context>

<pallas_src>
import functools

import jax
import jax.numpy as jnp
import numpy as np
from jax import lax
from jax.experimental import pallas as pl
from jax.experimental.pallas import tpu as pltpu
from jax.experimental.pallas import tpu_sc as plsc

N_USERS = 50000
N_ITEMS = 50000
E = 800000
C = 4
FIN = 16
D = 16
F = C * D
HF = F // 2

NC = 2
NS = 16
L = 16

CHUNK = 128
NB = 4
E_PAD = 819200
EPT = E_PAD // NS
NCHUNK = EPT // CHUNK

ACC_ROWS = 50048
ACC_CH = ACC_ROWS // CHUNK
CNL = 8
CCH = E_PAD // (NC * NS * CHUNK)


def _positional_encoding_flat():
    pos = np.arange(C, dtype=np.float32)[:, None]
    i = np.arange(D, dtype=np.float32)[None, :]
    angle = pos / np.power(10000.0, (2.0 * np.floor(i / 2.0)) / D)
    pe = np.zeros((C, D), dtype=np.float32)
    pe[:, 0::2] = np.sin(angle[:, 0::2])
    pe[:, 1::2] = np.cos(angle[:, 1::2])
    return pe.reshape(F)


def _agg_body(xa, xb, src_hbm, dst_hbm, agg_out,
              srcv, dstv, rows, acc_sh, *sems):
    cid = lax.axis_index("c")
    sid = lax.axis_index("s")
    si = sems[:NB]
    sg = sems[NB:2 * NB]
    ss = sems[2 * NB:]

    zv = jnp.zeros((L,), jnp.float32)

    def fill(i, _):
        rows[0, i, pl.ds(0, L)] = zv
        rows[0, i, pl.ds(L, L)] = zv
        return 0

    lax.fori_loop(0, CHUNK, fill, 0)

    def zacc(i, _):
        k = sid + i * NS

        @pl.when(k < ACC_CH)
        def _():
            pltpu.sync_copy(rows.at[0], acc_sh.at[pl.ds(k * CHUNK, CHUNK)])

        return 0

    lax.fori_loop(0, (ACC_CH + NS - 1) // NS, zacc, 0)
    plsc.subcore_barrier()

    ept = sid * EPT

    def fire_idx(j, b):
        pltpu.async_copy(src_hbm.at[pl.ds(ept + j * CHUNK, CHUNK)],
                         srcv.at[b], si[b])
        pltpu.async_copy(dst_hbm.at[pl.ds(ept + j * CHUNK, CHUNK)],
                         dstv.at[b], si[b])

    def wait_idx(j, b):
        pltpu.make_async_copy(src_hbm.at[pl.ds(ept + j * CHUNK, CHUNK)],
                              srcv.at[b], si[b]).wait()
        pltpu.make_async_copy(dst_hbm.at[pl.ds(ept + j * CHUNK, CHUNK)],
                              dstv.at[b], si[b]).wait()

    def fire_gather(j, b):
        @pl.when(cid == 0)
        def _():
            pltpu.async_copy(xa.at[srcv.at[b]], rows.at[b], sg[b])

        @pl.when(cid == 1)
        def _():
            pltpu.async_copy(xb.at[srcv.at[b]], rows.at[b], sg[b])

    def wait_gather(j, b):
        pltpu.make_async_copy(xa.at[srcv.at[b]], rows.at[b], sg[b]).wait()

    def fire_scatter(j, b):
        pltpu.async_copy(rows.at[b], acc_sh.at[dstv.at[b]], ss[b], add=True)

    def wait_scatter(j, b):
        pltpu.make_async_copy(rows.at[b], acc_sh.at[dstv.at[b]],
                              ss[b]).wait()

    for b in range(NB - 1):
        fire_idx(b, b)
    for b in range(NB - 2):
        wait_idx(b, b)
        fire_gather(b, b)

    def group(g, _):
        for b in range(NB):
            j = g * NB + b
            wait_gather(j, b)
            fire_scatter(j, b)
            bp = (b + NB - 1) % NB

            @pl.when(j >= 1)
            def _():
                wait_scatter(j - 1, bp)

            @pl.when(j + NB - 1 < NCHUNK)
            def _():
                fire_idx(j + NB - 1, bp)

            b2 = (b + NB - 2) % NB

            @pl.when(j + NB - 2 < NCHUNK)
            def _():
                wait_idx(j + NB - 2, b2)
                fire_gather(j + NB - 2, b2)

        return 0

    lax.fori_loop(0, NCHUNK // NB, group, 0)
    wait_scatter(NCHUNK - 1, (NCHUNK - 1) % NB)
    plsc.subcore_barrier()

    def wout(i, _):
        k = sid + i * NS

        @pl.when(k < ACC_CH)
        def _():
            pltpu.sync_copy(acc_sh.at[pl.ds(k * CHUNK, CHUNK)],
                            agg_out.at[cid, pl.ds(k * CHUNK, CHUNK)])

        return 0

    lax.fori_loop(0, (ACC_CH + NS - 1) // NS, wout, 0)


_agg_kernel = functools.partial(
    pl.kernel,
    out_type=jax.ShapeDtypeStruct((NC, ACC_ROWS, HF), jnp.float32),
    mesh=plsc.VectorSubcoreMesh(core_axis_name="c", subcore_axis_name="s"),
    compiler_params=pltpu.CompilerParams(use_tc_tiling_on_sc=False),
    scratch_types=[
        pltpu.VMEM((NB, CHUNK), jnp.int32),
        pltpu.VMEM((NB, CHUNK), jnp.int32),
        pltpu.VMEM((NB, CHUNK, HF), jnp.float32),
        pltpu.VMEM_SHARED((ACC_ROWS, HF), jnp.float32),
    ] + [pltpu.SemaphoreType.DMA] * (3 * NB),
)(_agg_body)


def _cnt_body(dst_hbm, oz_hbm, cnt_out, dst_all, ones, z8, cnt_sh, sem):
    cid = lax.axis_index("c")
    sid = lax.axis_index("s")

    pltpu.sync_copy(oz_hbm.at[0], ones)
    pltpu.sync_copy(oz_hbm.at[1], z8)

    def zacc(i, _):
        k = sid + i * NS

        @pl.when(k < ACC_CH)
        def _():
            pltpu.sync_copy(z8, cnt_sh.at[pl.ds(k * CHUNK, CHUNK)])

        return 0

    lax.fori_loop(0, (ACC_CH + NS - 1) // NS, zacc, 0)

    pltpu.sync_copy(dst_hbm.at[cid, sid], dst_all)
    plsc.subcore_barrier()

    DEPTH = 12

    def cfire(j, _):
        pltpu.async_copy(ones, cnt_sh.at[dst_all.at[j]], sem, add=True)

        @pl.when(j >= DEPTH)
        def _():
            jd = jnp.maximum(j - DEPTH, 0)
            pltpu.make_async_copy(ones, cnt_sh.at[dst_all.at[jd]],
                                  sem).wait()

        return 0

    lax.fori_loop(0, CCH, cfire, 0)

    def cdrain(j, _):
        pltpu.make_async_copy(ones, cnt_sh.at[dst_all.at[CCH - DEPTH + j]],
                              sem).wait()
        return 0

    lax.fori_loop(0, DEPTH, cdrain, 0)
    plsc.subcore_barrier()

    def wout(i, _):
        k = sid + i * NS

        @pl.when(k < ACC_CH)
        def _():
            pltpu.sync_copy(cnt_sh.at[pl.ds(k * CHUNK, CHUNK)],
                            cnt_out.at[cid, pl.ds(k * CHUNK, CHUNK)])

        return 0

    lax.fori_loop(0, (ACC_CH + NS - 1) // NS, wout, 0)


_cnt_kernel = functools.partial(
    pl.kernel,
    out_type=jax.ShapeDtypeStruct((NC, ACC_ROWS, CNL), jnp.float32),
    mesh=plsc.VectorSubcoreMesh(core_axis_name="c", subcore_axis_name="s"),
    compiler_params=pltpu.CompilerParams(use_tc_tiling_on_sc=False),
    scratch_types=[
        pltpu.VMEM((CCH, CHUNK), jnp.int32),
        pltpu.VMEM((CHUNK, CNL), jnp.float32),
        pltpu.VMEM((CHUNK, CNL), jnp.float32),
        pltpu.VMEM_SHARED((ACC_ROWS, CNL), jnp.float32),
        pltpu.SemaphoreType.DMA,
    ],
)(_cnt_body)


QROWS = ACC_ROWS // 4
QREAL = N_ITEMS // 4
BRQ = 3128
PF = 4 * F


def _sel32():
    s = np.zeros((4, CNL, 4, F), np.float32)
    for u in range(4):
        s[u, 0, u, :] = 1.0
    return s.reshape(4 * CNL, PF)


def _tc_body(xp_ref, aggp_ref, cntp_ref, w2i_ref, w2u_ref, s32_ref,
             biasp_ref, o_ref):
    cnt4 = cntp_ref[0] + cntp_ref[1]
    rcpp = jnp.dot(1.0 / jnp.maximum(cnt4, 1.0), s32_ref[...],
                   preferred_element_type=jnp.float32)
    mskp = jnp.dot((cnt4 > 0.0).astype(jnp.float32), s32_ref[...],
                   preferred_element_type=jnp.float32)
    a = jnp.concatenate([aggp_ref[0], aggp_ref[1]], axis=1)
    hu = jnp.dot(a, w2u_ref[...], preferred_element_type=jnp.float32) * rcpp
    hi = jnp.dot(xp_ref[...], w2i_ref[...], preferred_element_type=jnp.float32)
    o_ref[...] = hi + biasp_ref[0:1, :] + mskp * (hu + biasp_ref[1:2, :])


_tc_kernel = pl.pallas_call(
    _tc_body,
    out_shape=jax.ShapeDtypeStruct((QROWS, PF), jnp.float32),
    grid=(QROWS // BRQ,),
    in_specs=[
        pl.BlockSpec((BRQ, PF), lambda b: (b, 0)),
        pl.BlockSpec((NC, BRQ, 4 * HF), lambda b: (0, b, 0)),
        pl.BlockSpec((NC, BRQ, 4 * CNL), lambda b: (0, b, 0)),
        pl.BlockSpec((PF, PF), lambda b: (0, 0)),
        pl.BlockSpec((PF, PF), lambda b: (0, 0)),
        pl.BlockSpec((4 * CNL, PF), lambda b: (0, 0)),
        pl.BlockSpec((2, PF), lambda b: (0, 0)),
    ],
    out_specs=pl.BlockSpec((BRQ, PF), lambda b: (b, 0)),
)


def kernel(x_users, x_items, edge_index, W_users, b_users, W_items, b_items):
    src = edge_index[0].astype(jnp.int32)
    dst = edge_index[1].astype(jnp.int32)
    pad = E_PAD - E
    src_p = jnp.concatenate([src, jnp.zeros((pad,), jnp.int32)])
    dst_p = jnp.concatenate([dst, jnp.full((pad,), N_ITEMS, jnp.int32)])

    oz = jnp.stack([jnp.ones((CHUNK, CNL), jnp.float32),
                    jnp.zeros((CHUNK, CNL), jnp.float32)])
    cnt = _cnt_kernel(dst_p.reshape(NC, NS, CCH, CHUNK), oz)

    xu = x_users.reshape(N_USERS, F)
    xa = xu[:, :HF]
    xb = xu[:, HF:]
    agg = _agg_kernel(xa, xb, src_p, dst_p)

    pe = jnp.asarray(_positional_encoding_flat())
    eye = jnp.eye(C, dtype=jnp.float32)
    wi_bd = jnp.kron(eye, W_items)
    wu_bd = jnp.kron(eye, W_users)
    w2i = jnp.einsum('uv,fo->ufvo', eye, wi_bd).reshape(PF, PF)
    w2u = jnp.einsum('uv,hfo->hufvo', eye,
                     wu_bd.reshape(NC, HF, F)).reshape(PF, PF)
    biasp = jnp.stack([jnp.tile(jnp.tile(b_items, C) + pe, 4),
                       jnp.tile(jnp.tile(b_users, C) + pe, 4)])
    s32 = jnp.asarray(_sel32())

    xi_p = jnp.pad(x_items.reshape(QREAL, PF), ((0, QROWS - QREAL), (0, 0)))
    aggp = agg.reshape(NC, QROWS, 4 * HF)
    cntp = cnt.reshape(NC, QROWS, 4 * CNL)
    outp = _tc_kernel(xi_p, aggp, cntp, w2i, w2u, s32, biasp)
    return outp[:QREAL].reshape(N_ITEMS, C, D)

# --- scband reference (transcript-rebuilt; emitter-appended) ---
"""Pipeline reference for scband-blueprint-model-80685255623047 (READ-ONLY COPY).

The authoritative reference and input builder live on the scoring server;
editing this copy changes nothing except your own understanding.
"""

import jax, jax.numpy as jnp
import numpy as np

N_USERS = 50000
N_ITEMS = 50000
E = 800000
C = 4          # number of active columns per table
FIN = 16       # raw per-column feature width
D = 16         # embed_dim


def _positional_encoding(n_cols, d):
    # Sinusoidal positional encoding over the column axis (as in PositionalEncoding).
    pos = np.arange(n_cols, dtype=np.float32)[:, None]
    i = np.arange(d, dtype=np.float32)[None, :]
    angle = pos / np.power(10000.0, (2.0 * np.floor(i / 2.0)) / d)
    pe = np.zeros((n_cols, d), dtype=np.float32)
    pe[:, 0::2] = np.sin(angle[:, 0::2])
    pe[:, 1::2] = np.cos(angle[:, 1::2])
    return jnp.asarray(pe)


def setup_inputs(seed: int = 0) -> dict:
    key = jax.random.key(seed)
    ks = jax.random.split(key, 8)
    x_users = jax.random.normal(ks[0], (N_USERS, C, FIN), dtype=jnp.float32)
    x_items = jax.random.normal(ks[1], (N_ITEMS, C, FIN), dtype=jnp.float32)
    edge_index = jax.random.randint(ks[2], (2, E), 0, N_USERS, dtype=jnp.int64)
    # Learned params: per-table linear embedder (DBEmbedder stand-in)
    W_users = jax.random.normal(ks[3], (FIN, D), dtype=jnp.float32) * 0.1
    b_users = jnp.zeros((D,), dtype=jnp.float32)
    W_items = jax.random.normal(ks[4], (FIN, D), dtype=jnp.float32) * 0.1
    b_items = jnp.zeros((D,), dtype=jnp.float32)
    return {
        "x_users": x_users,
        "x_items": x_items,
        "edge_index": edge_index,
        "W_users": W_users,
        "b_users": b_users,
        "W_items": W_items,
        "b_items": b_items,
    }


def reference(x_users, x_items, edge_index, W_users, b_users, W_items, b_items):
    # 1) Embedder: per-table linear column encoder -> x_dict of [N, C, D]
    h_u = jnp.einsum('ncf,fd->ncd', x_users, W_users) + b_users
    h_i = jnp.einsum('ncf,fd->ncd', x_items, W_items) + b_items
    # 2) Positional encoding over columns (dropout=0, eval mode)
    pe = _positional_encoding(C, D)
    h_u = h_u + pe[None, :, :]
    h_i = h_i + pe[None, :, :]
    # 3) HeteroConv with MeanAddConv for edge type (users, to, items):
    #    dst_out = dst_in + mean_{src in N(dst)} src_in
    src = edge_index[0]
    dst = edge_index[1]
    msgs = jnp.take(h_u, src, axis=0)                                  # gather [E, C, D]
    agg = jax.ops.segment_sum(msgs, dst, num_segments=N_ITEMS)         # scatter-add
    cnt = jax.ops.segment_sum(jnp.ones((E,), jnp.float32), dst, num_segments=N_ITEMS)
    mean_agg = agg / jnp.maximum(cnt, 1.0)[:, None, None]
    out_items = h_i + mean_agg
    # 4) decoder_aggregation = Identity, decoder = empty Sequential -> return target table reps
    return out_items

if __name__ == "__main__":
    import jax
    _d = setup_inputs()
    print(jax.jit(kernel)(*tuple(_d.values())))

</pallas_src>

<mosaic_0001>
#map = affine_map<(d0, d1) -> (0, 0, 0, 0)>
#map1 = affine_map<(d0, d1) -> (0, 0, 0)>
module attributes {stable_mosaic.version = 14 : i64} {
  func.func @_cnt_body(%arg0: i32, %arg1: i32, %arg2: memref<2x16x200x128xi32, #tpu.memory_space<hbm>>, %arg3: memref<2x128x8xf32, #tpu.memory_space<hbm>>, %arg4: memref<2x50048x8xf32, #tpu.memory_space<hbm>>, %arg5: memref<200x128xi32, #tpu.memory_space<vmem>>, %arg6: memref<128x8xf32, #tpu.memory_space<vmem>>, %arg7: memref<128x8xf32, #tpu.memory_space<vmem>>, %arg8: memref<50048x8xf32, #tpu.memory_space<vmem_shared>>, %arg9: memref<!tpu.dma_semaphore, #tpu.memory_space<semaphore_mem>>) attributes {dimension_semantics = [#tpu.dimension_semantics<core_parallel>, #tpu.dimension_semantics<subcore_parallel>], iteration_bounds = array<i64: 2, 16>, scalar_prefetch = 0 : i64, scratch_operands = 5 : i64, tpu.core_type = #tpu.core_type<sc_vector_subcore>, window_params = [{transform_indices = #map}, {transform_indices = #map1}, {transform_indices = #map1}]} {
    %run_scoped3A = arith.constant 0 : i32
    "tpu.region"() ({
      %run_scoped3A_29 = tpu.sem_alloc : memref<!tpu.dma_semaphore, #tpu.memory_space<semaphore_mem>>
      %dma_start3A = arith.constant 0 : i32
      %dma_start3A_30 = arith.constant 0 : i32
      %dma_start3A_31 = tpu.memref_slice %arg3[%run_scoped3A, %dma_start3A, %dma_start3A_30] : memref<2x128x8xf32, #tpu.memory_space<hbm>> -> memref<1x128x8xf32, #tpu.memory_space<hbm>>
      %dma_start3A_32 = tpu.memref_squeeze %dma_start3A_31 : memref<1x128x8xf32, #tpu.memory_space<hbm>> -> memref<128x8xf32, #tpu.memory_space<hbm>>
      %dma_start3A_33 = arith.constant 0 : i32
      %dma_start3A_34 = arith.constant 0 : i32
      %dma_start3A_35 = tpu.memref_slice %arg3[%run_scoped3A, %dma_start3A_33, %dma_start3A_34] : memref<2x128x8xf32, #tpu.memory_space<hbm>> -> memref<1x128x8xf32, #tpu.memory_space<hbm>>
      %dma_start3A_36 = tpu.memref_squeeze %dma_start3A_35 : memref<1x128x8xf32, #tpu.memory_space<hbm>> -> memref<128x8xf32, #tpu.memory_space<hbm>>
      tpu.enqueue_dma source(%dma_start3A_36 : memref<128x8xf32, #tpu.memory_space<hbm>>) target(%arg6 : memref<128x8xf32, #tpu.memory_space<vmem>>) target_semaphore(%run_scoped3A_29 : memref<!tpu.dma_semaphore, #tpu.memory_space<semaphore_mem>>)
      %dma_wait3A = arith.constant 0 : i32
      %dma_wait3A_37 = arith.constant 0 : i32
      %dma_wait3A_38 = tpu.memref_slice %arg3[%run_scoped3A, %dma_wait3A, %dma_wait3A_37] : memref<2x128x8xf32, #tpu.memory_space<hbm>> -> memref<1x128x8xf32, #tpu.memory_space<hbm>>
      %dma_wait3A_39 = tpu.memref_squeeze %dma_wait3A_38 : memref<1x128x8xf32, #tpu.memory_space<hbm>> -> memref<128x8xf32, #tpu.memory_space<hbm>>
      %dma_wait3A_40 = arith.constant 0 : i32
      %dma_wait3A_41 = arith.constant 0 : i32
      %dma_wait3A_42 = tpu.memref_slice %arg3[%run_scoped3A, %dma_wait3A_40, %dma_wait3A_41] : memref<2x128x8xf32, #tpu.memory_space<hbm>> -> memref<1x128x8xf32, #tpu.memory_space<hbm>>
      %dma_wait3A_43 = tpu.memref_squeeze %dma_wait3A_42 : memref<1x128x8xf32, #tpu.memory_space<hbm>> -> memref<128x8xf32, #tpu.memory_space<hbm>>
      tpu.wait_dma2 semaphore(%run_scoped3A_29 : memref<!tpu.dma_semaphore, #tpu.memory_space<semaphore_mem>>) src(%dma_wait3A_43 : memref<128x8xf32, #tpu.memory_space<hbm>>) dst(%arg6 : memref<128x8xf32, #tpu.memory_space<vmem>>)
      tpu.yield
    }) : () -> ()
    %run_scoped3A_0 = arith.constant 1 : i32
    "tpu.region"() ({
      %run_scoped3A_29 = tpu.sem_alloc : memref<!tpu.dma_semaphore, #tpu.memory_space<semaphore_mem>>
      %dma_start3A = arith.constant 0 : i32
      %dma_start3A_30 = arith.constant 0 : i32
      %dma_start3A_31 = tpu.memref_slice %arg3[%run_scoped3A_0, %dma_start3A, %dma_start3A_30] : memref<2x128x8xf32, #tpu.memory_space<hbm>> -> memref<1x128x8xf32, #tpu.memory_space<hbm>>
      %dma_start3A_32 = tpu.memref_squeeze %dma_start3A_31 : memref<1x128x8xf32, #tpu.memory_space<hbm>> -> memref<128x8xf32, #tpu.memory_space<hbm>>
      %dma_start3A_33 = arith.constant 0 : i32
      %dma_start3A_34 = arith.constant 0 : i32
      %dma_start3A_35 = tpu.memref_slice %arg3[%run_scoped3A_0, %dma_start3A_33, %dma_start3A_34] : memref<2x128x8xf32, #tpu.memory_space<hbm>> -> memref<1x128x8xf32, #tpu.memory_space<hbm>>
      %dma_start3A_36 = tpu.memref_squeeze %dma_start3A_35 : memref<1x128x8xf32, #tpu.memory_space<hbm>> -> memref<128x8xf32, #tpu.memory_space<hbm>>
      tpu.enqueue_dma source(%dma_start3A_36 : memref<128x8xf32, #tpu.memory_space<hbm>>) target(%arg7 : memref<128x8xf32, #tpu.memory_space<vmem>>) target_semaphore(%run_scoped3A_29 : memref<!tpu.dma_semaphore, #tpu.memory_space<semaphore_mem>>)
      %dma_wait3A = arith.constant 0 : i32
      %dma_wait3A_37 = arith.constant 0 : i32
      %dma_wait3A_38 = tpu.memref_slice %arg3[%run_scoped3A_0, %dma_wait3A, %dma_wait3A_37] : memref<2x128x8xf32, #tpu.memory_space<hbm>> -> memref<1x128x8xf32, #tpu.memory_space<hbm>>
      %dma_wait3A_39 = tpu.memref_squeeze %dma_wait3A_38 : memref<1x128x8xf32, #tpu.memory_space<hbm>> -> memref<128x8xf32, #tpu.memory_space<hbm>>
      %dma_wait3A_40 = arith.constant 0 : i32
      %dma_wait3A_41 = arith.constant 0 : i32
      %dma_wait3A_42 = tpu.memref_slice %arg3[%run_scoped3A_0, %dma_wait3A_40, %dma_wait3A_41] : memref<2x128x8xf32, #tpu.memory_space<hbm>> -> memref<1x128x8xf32, #tpu.memory_space<hbm>>
      %dma_wait3A_43 = tpu.memref_squeeze %dma_wait3A_42 : memref<1x128x8xf32, #tpu.memory_space<hbm>> -> memref<128x8xf32, #tpu.memory_space<hbm>>
      tpu.wait_dma2 semaphore(%run_scoped3A_29 : memref<!tpu.dma_semaphore, #tpu.memory_space<semaphore_mem>>) src(%dma_wait3A_43 : memref<128x8xf32, #tpu.memory_space<hbm>>) dst(%arg7 : memref<128x8xf32, #tpu.memory_space<vmem>>)
      tpu.yield
    }) : () -> ()
    %scan3A = arith.constant 0 : i32
    %scan3A_1 = arith.constant 0 : i32
    %scan3A_2 = arith.constant 25 : i32
    %scan3A_3 = arith.addi %scan3A_1, %scan3A_2 : i32
    %scan3A_4 = arith.constant 1 : i32
    %scan3A_5 = scf.for %scan3A_29 = %scan3A_1 to %scan3A_3 step %scan3A_4 iter_args(%scan3A_30 = %scan3A) -> (i32)  : i32 {
      %mul3A = arith.constant 16 : i32
      %mul3A_31 = arith.muli %scan3A_29, %mul3A : i32
      %add3A = arith.addi %arg1, %mul3A_31 : i32
      %lt3A = arith.constant 391 : i32
      %lt3A_32 = arith.cmpi slt, %add3A, %lt3A : i32
      %convert_element_type3A = arith.extui %lt3A_32 : i1 to i32
      %cond3A = arith.constant 0 : i32
      %cond3A_33 = arith.cmpi ne, %convert_element_type3A, %cond3A : i32
      scf.if %cond3A_33 {
        %mul3A_35 = arith.constant 128 : i32
        %mul3A_36 = arith.muli %add3A, %mul3A_35 : i32
        "tpu.region"() ({
          %run_scoped3A_37 = tpu.sem_alloc : memref<!tpu.dma_semaphore, #tpu.memory_space<semaphore_mem>>
          %dma_start3A = arith.constant 0 : i32
          %dma_start3A_38 = tpu.memref_slice %arg8[%mul3A_36, %dma_start3A] : memref<50048x8xf32, #tpu.memory_space<vmem_shared>> -> memref<128x8xf32, #tpu.memory_space<vmem_shared>>
          %dma_start3A_39 = arith.constant 0 : i32
          %dma_start3A_40 = tpu.memref_slice %arg8[%mul3A_36, %dma_start3A_39] : memref<50048x8xf32, #tpu.memory_space<vmem_shared>> -> memref<128x8xf32, #tpu.memory_space<vmem_shared>>
          tpu.enqueue_dma source(%arg7 : memref<128x8xf32, #tpu.memory_space<vmem>>) target(%dma_start3A_40 : memref<128x8xf32, #tpu.memory_space<vmem_shared>>) target_semaphore(%run_scoped3A_37 : memref<!tpu.dma_semaphore, #tpu.memory_space<semaphore_mem>>)
          %dma_wait3A = arith.constant 0 : i32
          %dma_wait3A_41 = tpu.memref_slice %arg8[%mul3A_36, %dma_wait3A] : memref<50048x8xf32, #tpu.memory_space<vmem_shared>> -> memref<128x8xf32, #tpu.memory_space<vmem_shared>>
          %dma_wait3A_42 = arith.constant 0 : i32
          %dma_wait3A_43 = tpu.memref_slice %arg8[%mul3A_36, %dma_wait3A_42] : memref<50048x8xf32, #tpu.memory_space<vmem_shared>> -> memref<128x8xf32, #tpu.memory_space<vmem_shared>>
          tpu.wait_dma2 semaphore(%run_scoped3A_37 : memref<!tpu.dma_semaphore, #tpu.memory_space<semaphore_mem>>) src(%arg7 : memref<128x8xf32, #tpu.memory_space<vmem>>) dst(%dma_wait3A_43 : memref<128x8xf32, #tpu.memory_space<vmem_shared>>)
          tpu.yield
        }) : () -> ()
      } else {
      }
      %scan3A_34 = arith.constant 0 : i32
      scf.yield %scan3A_34 : i32
    }
    %scan3A_6 = arith.constant 25 : i32
    "tpu.region"() ({
      %run_scoped3A_29 = tpu.sem_alloc : memref<!tpu.dma_semaphore, #tpu.memory_space<semaphore_mem>>
      %dma_start3A = arith.constant 0 : i32
      %dma_start3A_30 = arith.constant 0 : i32
      %dma_start3A_31 = tpu.memref_slice %arg2[%arg0, %arg1, %dma_start3A, %dma_start3A_30] : memref<2x16x200x128xi32, #tpu.memory_space<hbm>> -> memref<1x1x200x128xi32, #tpu.memory_space<hbm>>
      %dma_start3A_32 = tpu.memref_squeeze %dma_start3A_31 : memref<1x1x200x128xi32, #tpu.memory_space<hbm>> -> memref<200x128xi32, #tpu.memory_space<hbm>>
      %dma_start3A_33 = arith.constant 0 : i32
      %dma_start3A_34 = arith.constant 0 : i32
      %dma_start3A_35 = tpu.memref_slice %arg2[%arg0, %arg1, %dma_start3A_33, %dma_start3A_34] : memref<2x16x200x128xi32, #tpu.memory_space<hbm>> -> memref<1x1x200x128xi32, #tpu.memory_space<hbm>>
      %dma_start3A_36 = tpu.memref_squeeze %dma_start3A_35 : memref<1x1x200x128xi32, #tpu.memory_space<hbm>> -> memref<200x128xi32, #tpu.memory_space<hbm>>
      tpu.enqueue_dma source(%dma_start3A_36 : memref<200x128xi32, #tpu.memory_space<hbm>>) target(%arg5 : memref<200x128xi32, #tpu.memory_space<vmem>>) target_semaphore(%run_scoped3A_29 : memref<!tpu.dma_semaphore, #tpu.memory_space<semaphore_mem>>)
      %dma_wait3A = arith.constant 0 : i32
      %dma_wait3A_37 = arith.constant 0 : i32
      %dma_wait3A_38 = tpu.memref_slice %arg2[%arg0, %arg1, %dma_wait3A, %dma_wait3A_37] : memref<2x16x200x128xi32, #tpu.memory_space<hbm>> -> memref<1x1x200x128xi32, #tpu.memory_space<hbm>>
      %dma_wait3A_39 = tpu.memref_squeeze %dma_wait3A_38 : memref<1x1x200x128xi32, #tpu.memory_space<hbm>> -> memref<200x128xi32, #tpu.memory_space<hbm>>
      %dma_wait3A_40 = arith.constant 0 : i32
      %dma_wait3A_41 = arith.constant 0 : i32
      %dma_wait3A_42 = tpu.memref_slice %arg2[%arg0, %arg1, %dma_wait3A_40, %dma_wait3A_41] : memref<2x16x200x128xi32, #tpu.memory_space<hbm>> -> memref<1x1x200x128xi32, #tpu.memory_space<hbm>>
      %dma_wait3A_43 = tpu.memref_squeeze %dma_wait3A_42 : memref<1x1x200x128xi32, #tpu.memory_space<hbm>> -> memref<200x128xi32, #tpu.memory_space<hbm>>
      tpu.wait_dma2 semaphore(%run_scoped3A_29 : memref<!tpu.dma_semaphore, #tpu.memory_space<semaphore_mem>>) src(%dma_wait3A_43 : memref<200x128xi32, #tpu.memory_space<hbm>>) dst(%arg5 : memref<200x128xi32, #tpu.memory_space<vmem>>)
      tpu.yield
    }) : () -> ()
    %barrier3A = arith.constant 0 : index
    tpu.barrier barrier_id(%barrier3A)
    %scan3A_7 = arith.constant 0 : i32
    %scan3A_8 = arith.constant 0 : i32
    %scan3A_9 = arith.constant 200 : i32
    %scan3A_10 = arith.addi %scan3A_8, %scan3A_9 : i32
    %scan3A_11 = arith.constant 1 : i32
    %scan3A_12 = scf.for %scan3A_29 = %scan3A_8 to %scan3A_10 step %scan3A_11 iter_args(%scan3A_30 = %scan3A_7) -> (i32)  : i32 {
      %dma_start3A = arith.constant 0 : i32
      %dma_start3A_31 = tpu.memref_slice %arg5[%scan3A_29, %dma_start3A] : memref<200x128xi32, #tpu.memory_space<vmem>> -> memref<1x128xi32, #tpu.memory_space<vmem>>
      %dma_start3A_32 = tpu.memref_squeeze %dma_start3A_31 : memref<1x128xi32, #tpu.memory_space<vmem>> -> memref<128xi32, #tpu.memory_space<vmem>>
      %dma_start3A_33 = arith.constant 0 : i32
      %dma_start3A_34 = arith.constant 0 : i32
      %dma_start3A_35 = tpu.memref_slice %arg8[%dma_start3A_33, %dma_start3A_34] : memref<50048x8xf32, #tpu.memory_space<vmem_shared>> -> memref<50048x8xf32, #tpu.memory_space<vmem_shared>>
      tpu.enqueue_indirect_dma source(%arg6 : memref<128x8xf32, #tpu.memory_space<vmem>>) target(%dma_start3A_35 : memref<50048x8xf32, #tpu.memory_space<vmem_shared>>) offsets(%dma_start3A_32 : memref<128xi32, #tpu.memory_space<vmem>>) semaphore(%arg9 : memref<!tpu.dma_semaphore, #tpu.memory_space<semaphore_mem>>) {add = true}
      %ge3A = arith.constant 12 : i32
      %ge3A_36 = arith.cmpi sge, %scan3A_29, %ge3A : i32
      %convert_element_type3A = arith.extui %ge3A_36 : i1 to i32
      %cond3A = arith.constant 0 : i32
      %cond3A_37 = arith.cmpi ne, %convert_element_type3A, %cond3A : i32
      scf.if %cond3A_37 {
        %sub3A = arith.constant 12 : i32
        %sub3A_39 = arith.subi %scan3A_29, %sub3A : i32
        %max3A = arith.constant 0 : i32
        %max3A_40 = arith.maxsi %sub3A_39, %max3A : i32
        %dma_wait3A = arith.constant 0 : i32
        %dma_wait3A_41 = tpu.memref_slice %arg5[%max3A_40, %dma_wait3A] : memref<200x128xi32, #tpu.memory_space<vmem>> -> memref<1x128xi32, #tpu.memory_space<vmem>>
        %dma_wait3A_42 = tpu.memref_squeeze %dma_wait3A_41 : memref<1x128xi32, #tpu.memory_space<vmem>> -> memref<128xi32, #tpu.memory_space<vmem>>
        %dma_wait3A_43 = arith.constant 0 : i32
        %dma_wait3A_44 = arith.constant 0 : i32
        %dma_wait3A_45 = tpu.memref_slice %arg8[%dma_wait3A_43, %dma_wait3A_44] : memref<50048x8xf32, #tpu.memory_space<vmem_shared>> -> memref<50048x8xf32, #tpu.memory_space<vmem_shared>>
        tpu.wait_indirect_dma semaphore(%arg9 : memref<!tpu.dma_semaphore, #tpu.memory_space<semaphore_mem>>) src(%arg6 : memref<128x8xf32, #tpu.memory_space<vmem>>) dst(%dma_wait3A_45 : memref<50048x8xf32, #tpu.memory_space<vmem_shared>>)
      } else {
      }
      %scan3A_38 = arith.constant 0 : i32
      scf.yield %scan3A_38 : i32
    }
    %scan3A_13 = arith.constant 200 : i32
    %scan3A_14 = arith.constant 0 : i32
    %scan3A_15 = arith.constant 0 : i32
    %scan3A_16 = arith.constant 12 : i32
    %scan3A_17 = arith.addi %scan3A_15, %scan3A_16 : i32
    %scan3A_18 = arith.constant 1 : i32
    %scan3A_19 = scf.for %scan3A_29 = %scan3A_15 to %scan3A_17 step %scan3A_18 iter_args(%scan3A_30 = %scan3A_14) -> (i32)  : i32 {
      %add3A = arith.constant 188 : i32
      %add3A_31 = arith.addi %add3A, %scan3A_29 : i32
      %dma_wait3A = arith.constant 0 : i32
      %dma_wait3A_32 = tpu.memref_slice %arg5[%add3A_31, %dma_wait3A] : memref<200x128xi32, #tpu.memory_space<vmem>> -> memref<1x128xi32, #tpu.memory_space<vmem>>
      %dma_wait3A_33 = tpu.memref_squeeze %dma_wait3A_32 : memref<1x128xi32, #tpu.memory_space<vmem>> -> memref<128xi32, #tpu.memory_space<vmem>>
      %dma_wait3A_34 = arith.constant 0 : i32
      %dma_wait3A_35 = arith.constant 0 : i32
      %dma_wait3A_36 = tpu.memref_slice %arg8[%dma_wait3A_34, %dma_wait3A_35] : memref<50048x8xf32, #tpu.memory_space<vmem_shared>> -> memref<50048x8xf32, #tpu.memory_space<vmem_shared>>
      tpu.wait_indirect_dma semaphore(%arg9 : memref<!tpu.dma_semaphore, #tpu.memory_space<semaphore_mem>>) src(%arg6 : memref<128x8xf32, #tpu.memory_space<vmem>>) dst(%dma_wait3A_36 : memref<50048x8xf32, #tpu.memory_space<vmem_shared>>)
      %scan3A_37 = arith.constant 0 : i32
      scf.yield %scan3A_37 : i32
    }
    %scan3A_20 = arith.constant 12 : i32
    %barrier3A_21 = arith.constant 0 : index
    tpu.barrier barrier_id(%barrier3A_21)
    %scan3A_22 = arith.constant 0 : i32
    %scan3A_23 = arith.constant 0 : i32
    %scan3A_24 = arith.constant 25 : i32
    %scan3A_25 = arith.addi %scan3A_23, %scan3A_24 : i32
    %scan3A_26 = arith.constant 1 : i32
    %scan3A_27 = scf.for %scan3A_29 = %scan3A_23 to %scan3A_25 step %scan3A_26 iter_args(%scan3A_30 = %scan3A_22) -> (i32)  : i32 {
      %mul3A = arith.constant 16 : i32
      %mul3A_31 = arith.muli %scan3A_29, %mul3A : i32
      %add3A = arith.addi %arg1, %mul3A_31 : i32
      %lt3A = arith.constant 391 : i32
      %lt3A_32 = arith.cmpi slt, %add3A, %lt3A : i32
      %convert_element_type3A = arith.extui %lt3A_32 : i1 to i32
      %cond3A = arith.constant 0 : i32
      %cond3A_33 = arith.cmpi ne, %convert_element_type3A, %cond3A : i32
      scf.if %cond3A_33 {
        %mul3A_35 = arith.constant 128 : i32
        %mul3A_36 = arith.muli %add3A, %mul3A_35 : i32
        %mul3A_37 = arith.constant 128 : i32
        %mul3A_38 = arith.muli %add3A, %mul3A_37 : i32
        "tpu.region"() ({
          %run_scoped3A_39 = tpu.sem_alloc : memref<!tpu.dma_semaphore, #tpu.memory_space<semaphore_mem>>
          %dma_start3A = arith.constant 0 : i32
          %dma_start3A_40 = tpu.memref_slice %arg4[%arg0, %mul3A_38, %dma_start3A] : memref<2x50048x8xf32, #tpu.memory_space<hbm>> -> memref<1x128x8xf32, #tpu.memory_space<hbm>>
          %dma_start3A_41 = tpu.memref_squeeze %dma_start3A_40 : memref<1x128x8xf32, #tpu.memory_space<hbm>> -> memref<128x8xf32, #tpu.memory_space<hbm>>
          %dma_start3A_42 = arith.constant 0 : i32
          %dma_start3A_43 = tpu.memref_slice %arg8[%mul3A_36, %dma_start3A_42] : memref<50048x8xf32, #tpu.memory_space<vmem_shared>> -> memref<128x8xf32, #tpu.memory_space<vmem_shared>>
          tpu.enqueue_dma source(%dma_start3A_43 : memref<128x8xf32, #tpu.memory_space<vmem_shared>>) target(%dma_start3A_41 : memref<128x8xf32, #tpu.memory_space<hbm>>) target_semaphore(%run_scoped3A_39 : memref<!tpu.dma_semaphore, #tpu.memory_space<semaphore_mem>>)
          %dma_wait3A = arith.constant 0 : i32
          %dma_wait3A_44 = tpu.memref_slice %arg4[%arg0, %mul3A_38, %dma_wait3A] : memref<2x50048x8xf32, #tpu.memory_space<hbm>> -> memref<1x128x8xf32, #tpu.memory_space<hbm>>
          %dma_wait3A_45 = tpu.memref_squeeze %dma_wait3A_44 : memref<1x128x8xf32, #tpu.memory_space<hbm>> -> memref<128x8xf32, #tpu.memory_space<hbm>>
          %dma_wait3A_46 = arith.constant 0 : i32
          %dma_wait3A_47 = tpu.memref_slice %arg8[%mul3A_36, %dma_wait3A_46] : memref<50048x8xf32, #tpu.memory_space<vmem_shared>> -> memref<128x8xf32, #tpu.memory_space<vmem_shared>>
          tpu.wait_dma2 semaphore(%run_scoped3A_39 : memref<!tpu.dma_semaphore, #tpu.memory_space<semaphore_mem>>) src(%dma_wait3A_47 : memref<128x8xf32, #tpu.memory_space<vmem_shared>>) dst(%dma_wait3A_45 : memref<128x8xf32, #tpu.memory_space<hbm>>)
          tpu.yield
        }) : () -> ()
      } else {
      }
      %scan3A_34 = arith.constant 0 : i32
      scf.yield %scan3A_34 : i32
    }
    %scan3A_28 = arith.constant 25 : i32
    return
  }
}

#map = affine_map<(d0, d1) -> (0, 0)>
#map1 = affine_map<(d0, d1) -> (0)>
#map2 = affine_map<(d0, d1) -> (0, 0, 0)>
module attributes {stable_mosaic.version = 14 : i64} {
  func.func @_agg_body(%arg0: i32, %arg1: i32, %arg2: memref<50000x32xf32, #tpu.memory_space<hbm>>, %arg3: memref<50000x32xf32, #tpu.memory_space<hbm>>, %arg4: memref<819200xi32, #tpu.memory_space<hbm>>, %arg5: memref<819200xi32, #tpu.memory_space<hbm>>, %arg6: memref<2x50048x32xf32, #tpu.memory_space<hbm>>, %arg7: memref<4x128xi32, #tpu.memory_space<vmem>>, %arg8: memref<4x128xi32, #tpu.memory_space<vmem>>, %arg9: memref<4x128x32xf32, #tpu.memory_space<vmem>>, %arg10: memref<50048x32xf32, #tpu.memory_space<vmem_shared>>, %arg11: memref<!tpu.dma_semaphore, #tpu.memory_space<semaphore_mem>>, %arg12: memref<!tpu.dma_semaphore, #tpu.memory_space<semaphore_mem>>, %arg13: memref<!tpu.dma_semaphore, #tpu.memory_space<semaphore_mem>>, %arg14: memref<!tpu.dma_semaphore, #tpu.memory_space<semaphore_mem>>, %arg15: memref<!tpu.dma_semaphore, #tpu.memory_space<semaphore_mem>>, %arg16: memref<!tpu.dma_semaphore, #tpu.memory_space<semaphore_mem>>, %arg17: memref<!tpu.dma_semaphore, #tpu.memory_space<semaphore_mem>>, %arg18: memref<!tpu.dma_semaphore, #tpu.memory_space<semaphore_mem>>, %arg19: memref<!tpu.dma_semaphore, #tpu.memory_space<semaphore_mem>>, %arg20: memref<!tpu.dma_semaphore, #tpu.memory_space<semaphore_mem>>, %arg21: memref<!tpu.dma_semaphore, #tpu.memory_space<semaphore_mem>>, %arg22: memref<!tpu.dma_semaphore, #tpu.memory_space<semaphore_mem>>) attributes {dimension_semantics = [#tpu.dimension_semantics<core_parallel>, #tpu.dimension_semantics<subcore_parallel>], iteration_bounds = array<i64: 2, 16>, scalar_prefetch = 0 : i64, scratch_operands = 16 : i64, tpu.core_type = #tpu.core_type<sc_vector_subcore>, window_params = [{transform_indices = #map}, {transform_indices = #map}, {transform_indices = #map1}, {transform_indices = #map1}, {transform_indices = #map2}]} {
    %broadcast_in_dim3A = arith.constant 0.000000e+00 : f32
    %broadcast_in_dim3A_0 = vector.broadcast %broadcast_in_dim3A : f32 to vector<16xf32>
    %scan3A = arith.constant 0 : i32
    %scan3A_1 = arith.constant 0 : i32
    %scan3A_2 = arith.constant 128 : i32
    %scan3A_3 = arith.addi %scan3A_1, %scan3A_2 : i32
    %scan3A_4 = arith.constant 1 : i32
    %scan3A_5 = scf.for %scan3A_166 = %scan3A_1 to %scan3A_3 step %scan3A_4 iter_args(%scan3A_167 = %scan3A) -> (i32)  : i32 {
      %swap3A = arith.constant 0 : i32
      %swap3A_168 = arith.index_cast %swap3A : i32 to index
      %swap3A_169 = arith.index_cast %scan3A_166 : i32 to index
      %swap3A_170 = arith.constant 0 : index
      %swap3A_171 = tpu.vector_load %arg9[%swap3A_168, %swap3A_169, %swap3A_170] {strides = array<i32>} : memref<4x128x32xf32, #tpu.memory_space<vmem>>, vector<1x1x16xf32>,
      %swap3A_172 = vector.shape_cast %swap3A_171 : vector<1x1x16xf32> to vector<16xf32>
      %swap3A_173 = vector.shape_cast %broadcast_in_dim3A_0 : vector<16xf32> to vector<1x1x16xf32>
      tpu.vector_store %arg9[%swap3A_168, %swap3A_169, %swap3A_170], %swap3A_173 {strides = array<i32>} : memref<4x128x32xf32, #tpu.memory_space<vmem>>, vector<1x1x16xf32>,
      %swap3A_174 = arith.constant 0 : i32
      %swap3A_175 = arith.index_cast %swap3A_174 : i32 to index
      %swap3A_176 = arith.index_cast %scan3A_166 : i32 to index
      %swap3A_177 = arith.constant 16 : index
      %swap3A_178 = tpu.vector_load %arg9[%swap3A_175, %swap3A_176, %swap3A_177] {strides = array<i32>} : memref<4x128x32xf32, #tpu.memory_space<vmem>>, vector<1x1x16xf32>,
      %swap3A_179 = vector.shape_cast %swap3A_178 : vector<1x1x16xf32> to vector<16xf32>
      %swap3A_180 = vector.shape_cast %broadcast_in_dim3A_0 : vector<16xf32> to vector<1x1x16xf32>
      tpu.vector_store %arg9[%swap3A_175, %swap3A_176, %swap3A_177], %swap3A_180 {strides = array<i32>} : memref<4x128x32xf32, #tpu.memory_space<vmem>>, vector<1x1x16xf32>,
      %scan3A_181 = arith.constant 0 : i32
      scf.yield %scan3A_181 : i32
    }
    %scan3A_6 = arith.constant 128 : i32
    %scan3A_7 = arith.constant 0 : i32
    %scan3A_8 = arith.constant 0 : i32
    %scan3A_9 = arith.constant 25 : i32
    %scan3A_10 = arith.addi %scan3A_8, %scan3A_9 : i32
    %scan3A_11 = arith.constant 1 : i32
    %scan3A_12 = scf.for %scan3A_166 = %scan3A_8 to %scan3A_10 step %scan3A_11 iter_args(%scan3A_167 = %scan3A_7) -> (i32)  : i32 {
      %mul3A_168 = arith.constant 16 : i32
      %mul3A_169 = arith.muli %scan3A_166, %mul3A_168 : i32
      %add3A_170 = arith.addi %arg1, %mul3A_169 : i32
      %lt3A = arith.constant 391 : i32
      %lt3A_171 = arith.cmpi slt, %add3A_170, %lt3A : i32
      %convert_element_type3A_172 = arith.extui %lt3A_171 : i1 to i32
      %cond3A_173 = arith.constant 0 : i32
      %cond3A_174 = arith.cmpi ne, %convert_element_type3A_172, %cond3A_173 : i32
      scf.if %cond3A_174 {
        %mul3A_176 = arith.constant 128 : i32
        %mul3A_177 = arith.muli %add3A_170, %mul3A_176 : i32
        %run_scoped3A = arith.constant 0 : i32
        "tpu.region"() ({
          %run_scoped3A_178 = tpu.sem_alloc : memref<!tpu.dma_semaphore, #tpu.memory_space<semaphore_mem>>
          %dma_start3A_179 = arith.constant 0 : i32
          %dma_start3A_180 = arith.constant 0 : i32
          %dma_start3A_181 = tpu.memref_slice %arg9[%run_scoped3A, %dma_start3A_179, %dma_start3A_180] : memref<4x128x32xf32, #tpu.memory_space<vmem>> -> memref<1x128x32xf32, #tpu.memory_space<vmem>>
          %dma_start3A_182 = tpu.memref_squeeze %dma_start3A_181 : memref<1x128x32xf32, #tpu.memory_space<vmem>> -> memref<128x32xf32, #tpu.memory_space<vmem>>
          %dma_start3A_183 = arith.constant 0 : i32
          %dma_start3A_184 = tpu.memref_slice %arg10[%mul3A_177, %dma_start3A_183] : memref<50048x32xf32, #tpu.memory_space<vmem_shared>> -> memref<128x32xf32, #tpu.memory_space<vmem_shared>>
          %dma_start3A_185 = arith.constant 0 : i32
          %dma_start3A_186 = tpu.memref_slice %arg10[%mul3A_177, %dma_start3A_185] : memref<50048x32xf32, #tpu.memory_space<vmem_shared>> -> memref<128x32xf32, #tpu.memory_space<vmem_shared>>
          %dma_start3A_187 = arith.constant 0 : i32
          %dma_start3A_188 = arith.constant 0 : i32
          %dma_start3A_189 = tpu.memref_slice %arg9[%run_scoped3A, %dma_start3A_187, %dma_start3A_188] : memref<4x128x32xf32, #tpu.memory_space<vmem>> -> memref<1x128x32xf32, #tpu.memory_space<vmem>>
          %dma_start3A_190 = tpu.memref_squeeze %dma_start3A_189 : memref<1x128x32xf32, #tpu.memory_space<vmem>> -> memref<128x32xf32, #tpu.memory_space<vmem>>
          tpu.enqueue_dma source(%dma_start3A_190 : memref<128x32xf32, #tpu.memory_space<vmem>>) target(%dma_start3A_186 : memref<128x32xf32, #tpu.memory_space<vmem_shared>>) target_semaphore(%run_scoped3A_178 : memref<!tpu.dma_semaphore, #tpu.memory_space<semaphore_mem>>)
          %dma_wait3A_191 = arith.constant 0 : i32
          %dma_wait3A_192 = arith.constant 0 : i32
          %dma_wait3A_193 = tpu.memref_slice %arg9[%run_scoped3A, %dma_wait3A_191, %dma_wait3A_192] : memref<4x128x32xf32, #tpu.memory_space<vmem>> -> memref<1x128x32xf32, #tpu.memory_space<vmem>>
          %dma_wait3A_194 = tpu.memref_squeeze %dma_wait3A_193 : memref<1x128x32xf32, #tpu.memory_space<vmem>> -> memref<128x32xf32, #tpu.memory_space<vmem>>
          %dma_wait3A_195 = arith.constant 0 : i32
          %dma_wait3A_196 = tpu.memref_slice %arg10[%mul3A_177, %dma_wait3A_195] : memref<50048x32xf32, #tpu.memory_space<vmem_shared>> -> memref<128x32xf32, #tpu.memory_space<vmem_shared>>
          %dma_wait3A_197 = arith.constant 0 : i32
          %dma_wait3A_198 = tpu.memref_slice %arg10[%mul3A_177, %dma_wait3A_197] : memref<50048x32xf32, #tpu.memory_space<vmem_shared>> -> memref<128x32xf32, #tpu.memory_space<vmem_shared>>
          %dma_wait3A_199 = arith.constant 0 : i32
          %dma_wait3A_200 = arith.constant 0 : i32
          %dma_wait3A_201 = tpu.memref_slice %arg9[%run_scoped3A, %dma_wait3A_199, %dma_wait3A_200] : memref<4x128x32xf32, #tpu.memory_space<vmem>> -> memref<1x128x32xf32, #tpu.memory_space<vmem>>
          %dma_wait3A_202 = tpu.memref_squeeze %dma_wait3A_201 : memref<1x128x32xf32, #tpu.memory_space<vmem>> -> memref<128x32xf32, #tpu.memory_space<vmem>>
          tpu.wait_dma2 semaphore(%run_scoped3A_178 : memref<!tpu.dma_semaphore, #tpu.memory_space<semaphore_mem>>) src(%dma_wait3A_202 : memref<128x32xf32, #tpu.memory_space<vmem>>) dst(%dma_wait3A_198 : memref<128x32xf32, #tpu.memory_space<vmem_shared>>)
          tpu.yield
        }) : () -> ()
      } else {
      }
      %scan3A_175 = arith.constant 0 : i32
      scf.yield %scan3A_175 : i32
    }
    %scan3A_13 = arith.constant 25 : i32
    %barrier3A = arith.constant 0 : index
    tpu.barrier barrier_id(%barrier3A)
    %mul3A = arith.constant 51200 : i32
    %mul3A_14 = arith.muli %arg1, %mul3A : i32
    %add3A = arith.constant 0 : i32
    %add3A_15 = arith.addi %mul3A_14, %add3A : i32
    %dma_start3A = arith.constant 0 : i32
    %dma_start3A_16 = arith.constant 0 : i32
    %dma_start3A_17 = tpu.memref_slice %arg7[%dma_start3A, %dma_start3A_16] : memref<4x128xi32, #tpu.memory_space<vmem>> -> memref<1x128xi32, #tpu.memory_space<vmem>>
    %dma_start3A_18 = tpu.memref_squeeze %dma_start3A_17 : memref<1x128xi32, #tpu.memory_space<vmem>> -> memref<128xi32, #tpu.memory_space<vmem>>
    %dma_start3A_19 = tpu.memref_slice %arg4[%add3A_15] : memref<819200xi32, #tpu.memory_space<hbm>> -> memref<128xi32, #tpu.memory_space<hbm>>
    %dma_start3A_20 = arith.constant 0 : i32
    %dma_start3A_21 = tpu.memref_slice %arg7[%dma_start3A, %dma_start3A_20] : memref<4x128xi32, #tpu.memory_space<vmem>> -> memref<1x128xi32, #tpu.memory_space<vmem>>
    %dma_start3A_22 = tpu.memref_squeeze %dma_start3A_21 : memref<1x128xi32, #tpu.memory_space<vmem>> -> memref<128xi32, #tpu.memory_space<vmem>>
    %dma_start3A_23 = tpu.memref_slice %arg4[%add3A_15] : memref<819200xi32, #tpu.memory_space<hbm>> -> memref<128xi32, #tpu.memory_space<hbm>>
    tpu.enqueue_dma source(%dma_start3A_23 : memref<128xi32, #tpu.memory_space<hbm>>) target(%dma_start3A_22 : memref<128xi32, #tpu.memory_space<vmem>>) target_semaphore(%arg11 : memref<!tpu.dma_semaphore, #tpu.memory_space<semaphore_mem>>)
    %add3A_24 = arith.constant 0 : i32
    %add3A_25 = arith.addi %mul3A_14, %add3A_24 : i32
    %dma_start3A_26 = arith.constant 0 : i32
    %dma_start3A_27 = arith.constant 0 : i32
    %dma_start3A_28 = tpu.memref_slice %arg8[%dma_start3A_26, %dma_start3A_27] : memref<4x128xi32, #tpu.memory_space<vmem>> -> memref<1x128xi32, #tpu.memory_space<vmem>>
    %dma_start3A_29 = tpu.memref_squeeze %dma_start3A_28 : memref<1x128xi32, #tpu.memory_space<vmem>> -> memref<128xi32, #tpu.memory_space<vmem>>
    %dma_start3A_30 = tpu.memref_slice %arg5[%add3A_25] : memref<819200xi32, #tpu.memory_space<hbm>> -> memref<128xi32, #tpu.memory_space<hbm>>
    %dma_start3A_31 = arith.constant 0 : i32
    %dma_start3A_32 = tpu.memref_slice %arg8[%dma_start3A_26, %dma_start3A_31] : memref<4x128xi32, #tpu.memory_space<vmem>> -> memref<1x128xi32, #tpu.memory_space<vmem>>
    %dma_start3A_33 = tpu.memref_squeeze %dma_start3A_32 : memref<1x128xi32, #tpu.memory_space<vmem>> -> memref<128xi32, #tpu.memory_space<vmem>>
    %dma_start3A_34 = tpu.memref_slice %arg5[%add3A_25] : memref<819200xi32, #tpu.memory_space<hbm>> -> memref<128xi32, #tpu.memory_space<hbm>>
    tpu.enqueue_dma source(%dma_start3A_34 : memref<128xi32, #tpu.memory_space<hbm>>) target(%dma_start3A_33 : memref<128xi32, #tpu.memory_space<vmem>>) target_semaphore(%arg11 : memref<!tpu.dma_semaphore, #tpu.memory_space<semaphore_mem>>)
    %add3A_35 = arith.constant 128 : i32
    %add3A_36 = arith.addi %mul3A_14, %add3A_35 : i32
    %dma_start3A_37 = arith.constant 1 : i32
    %dma_start3A_38 = arith.constant 0 : i32
    %dma_start3A_39 = tpu.memref_slice %arg7[%dma_start3A_37, %dma_start3A_38] : memref<4x128xi32, #tpu.memory_space<vmem>> -> memref<1x128xi32, #tpu.memory_space<vmem>>
    %dma_start3A_40 = tpu.memref_squeeze %dma_start3A_39 : memref<1x128xi32, #tpu.memory_space<vmem>> -> memref<128xi32, #tpu.memory_space<vmem>>
    %dma_start3A_41 = tpu.memref_slice %arg4[%add3A_36] : memref<819200xi32, #tpu.memory_space<hbm>> -> memref<128xi32, #tpu.memory_space<hbm>>
    %dma_start3A_42 = arith.constant 0 : i32
    %dma_start3A_43 = tpu.memref_slice %arg7[%dma_start3A_37, %dma_start3A_42] : memref<4x128xi32, #tpu.memory_space<vmem>> -> memref<1x128xi32, #tpu.memory_space<vmem>>
    %dma_start3A_44 = tpu.memref_squeeze %dma_start3A_43 : memref<1x128xi32, #tpu.memory_space<vmem>> -> memref<128xi32, #tpu.memory_space<vmem>>
    %dma_start3A_45 = tpu.memref_slice %arg4[%add3A_36] : memref<819200xi32, #tpu.memory_space<hbm>> -> memref<128xi32, #tpu.memory_space<hbm>>
    tpu.enqueue_dma source(%dma_start3A_45 : memref<128xi32, #tpu.memory_space<hbm>>) target(%dma_start3A_44 : memref<128xi32, #tpu.memory_space<vmem>>) target_semaphore(%arg12 : memref<!tpu.dma_semaphore, #tpu.memory_space<semaphore_mem>>)
    %add3A_46 = arith.constant 128 : i32
    %add3A_47 = arith.addi %mul3A_14, %add3A_46 : i32
    %dma_start3A_48 = arith.constant 1 : i32
    %dma_start3A_49 = arith.constant 0 : i32
    %dma_start3A_50 = tpu.memref_slice %arg8[%dma_start3A_48, %dma_start3A_49] : memref<4x128xi32, #tpu.memory_space<vmem>> -> memref<1x128xi32, #tpu.memory_space<vmem>>
    %dma_start3A_51 = tpu.memref_squeeze %dma_start3A_50 : memref<1x128xi32, #tpu.memory_space<vmem>> -> memref<128xi32, #tpu.memory_space<vmem>>
    %dma_start3A_52 = tpu.memref_slice %arg5[%add3A_47] : memref<819200xi32, #tpu.memory_space<hbm>> -> memref<128xi32, #tpu.memory_space<hbm>>
    %dma_start3A_53 = arith.constant 0 : i32
    %dma_start3A_54 = tpu.memref_slice %arg8[%dma_start3A_48, %dma_start3A_53] : memref<4x128xi32, #tpu.memory_space<vmem>> -> memref<1x128xi32, #tpu.memory_space<vmem>>
    %dma_start3A_55 = tpu.memref_squeeze %dma_start3A_54 : memref<1x128xi32, #tpu.memory_space<vmem>> -> memref<128xi32, #tpu.memory_space<vmem>>
    %dma_start3A_56 = tpu.memref_slice %arg5[%add3A_47] : memref<819200xi32, #tpu.memory_space<hbm>> -> memref<128xi32, #tpu.memory_space<hbm>>
    tpu.enqueue_dma source(%dma_start3A_56 : memref<128xi32, #tpu.memory_space<hbm>>) target(%dma_start3A_55 : memref<128xi32, #tpu.memory_space<vmem>>) target_semaphore(%arg12 : memref<!tpu.dma_semaphore, #tpu.memory_space<semaphore_mem>>)
    %add3A_57 = arith.constant 256 : i32
    %add3A_58 = arith.addi %mul3A_14, %add3A_57 : i32
    %dma_start3A_59 = arith.constant 2 : i32
    %dma_start3A_60 = arith.constant 0 : i32
    %dma_start3A_61 = tpu.memref_slice %arg7[%dma_start3A_59, %dma_start3A_60] : memref<4x128xi32, #tpu.memory_space<vmem>> -> memref<1x128xi32, #tpu.memory_space<vmem>>
    %dma_start3A_62 = tpu.memref_squeeze %dma_start3A_61 : memref<1x128xi32, #tpu.memory_space<vmem>> -> memref<128xi32, #tpu.memory_space<vmem>>
    %dma_start3A_63 = tpu.memref_slice %arg4[%add3A_58] : memref<819200xi32, #tpu.memory_space<hbm>> -> memref<128xi32, #tpu.memory_space<hbm>>
    %dma_start3A_64 = arith.constant 0 : i32
    %dma_start3A_65 = tpu.memref_slice %arg7[%dma_start3A_59, %dma_start3A_64] : memref<4x128xi32, #tpu.memory_space<vmem>> -> memref<1x128xi32, #tpu.memory_space<vmem>>
    %dma_start3A_66 = tpu.memref_squeeze %dma_start3A_65 : memref<1x128xi32, #tpu.memory_space<vmem>> -> memref<128xi32, #tpu.memory_space<vmem>>
    %dma_start3A_67 = tpu.memref_slice %arg4[%add3A_58] : memref<819200xi32, #tpu.memory_space<hbm>> -> memref<128xi32, #tpu.memory_space<hbm>>
    tpu.enqueue_dma source(%dma_start3A_67 : memref<128xi32, #tpu.memory_space<hbm>>) target(%dma_start3A_66 : memref<128xi32, #tpu.memory_space<vmem>>) target_semaphore(%arg13 : memref<!tpu.dma_semaphore, #tpu.memory_space<semaphore_mem>>)
    %add3A_68 = arith.constant 256 : i32
    %add3A_69 = arith.addi %mul3A_14, %add3A_68 : i32
    %dma_start3A_70 = arith.constant 2 : i32
    %dma_start3A_71 = arith.constant 0 : i32
    %dma_start3A_72 = tpu.memref_slice %arg8[%dma_start3A_70, %dma_start3A_71] : memref<4x128xi32, #tpu.memory_space<vmem>> -> memref<1x128xi32, #tpu.memory_space<vmem>>
    %dma_start3A_73 = tpu.memref_squeeze %dma_start3A_72 : memref<1x128xi32, #tpu.memory_space<vmem>> -> memref<128xi32, #tpu.memory_space<vmem>>
    %dma_start3A_74 = tpu.memref_slice %arg5[%add3A_69] : memref<819200xi32, #tpu.memory_space<hbm>> -> memref<128xi32, #tpu.memory_space<hbm>>
    %dma_start3A_75 = arith.constant 0 : i32
    %dma_start3A_76 = tpu.memref_slice %arg8[%dma_start3A_70, %dma_start3A_75] : memref<4x128xi32, #tpu.memory_space<vmem>> -> memref<1x128xi32, #tpu.memory_space<vmem>>
    %dma_start3A_77 = tpu.memref_squeeze %dma_start3A_76 : memref<1x128xi32, #tpu.memory_space<vmem>> -> memref<128xi32, #tpu.memory_space<vmem>>
    %dma_start3A_78 = tpu.memref_slice %arg5[%add3A_69] : memref<819200xi32, #tpu.memory_space<hbm>> -> memref<128xi32, #tpu.memory_space<hbm>>
    tpu.enqueue_dma source(%dma_start3A_78 : memref<128xi32, #tpu.memory_space<hbm>>) target(%dma_start3A_77 : memref<128xi32, #tpu.memory_space<vmem>>) target_semaphore(%arg13 : memref<!tpu.dma_semaphore, #tpu.memory_space<semaphore_mem>>)
    %add3A_79 = arith.constant 0 : i32
    %add3A_80 = arith.addi %mul3A_14, %add3A_79 : i32
    %dma_wait3A = arith.constant 0 : i32
    %dma_wait3A_81 = arith.constant 0 : i32
    %dma_wait3A_82 = tpu.memref_slice %arg7[%dma_wait3A, %dma_wait3A_81] : memref<4x128xi32, #tpu.memory_space<vmem>> -> memref<1x128xi32, #tpu.memory_space<vmem>>
    %dma_wait3A_83 = tpu.memref_squeeze %dma_wait3A_82 : memref<1x128xi32, #tpu.memory_space<vmem>> -> memref<128xi32, #tpu.memory_space<vmem>>
    %dma_wait3A_84 = tpu.memref_slice %arg4[%add3A_80] : memref<819200xi32, #tpu.memory_space<hbm>> -> memref<128xi32, #tpu.memory_space<hbm>>
    %dma_wait3A_85 = arith.constant 0 : i32
    %dma_wait3A_86 = tpu.memref_slice %arg7[%dma_wait3A, %dma_wait3A_85] : memref<4x128xi32, #tpu.memory_space<vmem>> -> memref<1x128xi32, #tpu.memory_space<vmem>>
    %dma_wait3A_87 = tpu.memref_squeeze %dma_wait3A_86 : memref<1x128xi32, #tpu.memory_space<vmem>> -> memref<128xi32, #tpu.memory_space<vmem>>
    %dma_wait3A_88 = tpu.memref_slice %arg4[%add3A_80] : memref<819200xi32, #tpu.memory_space<hbm>> -> memref<128xi32, #tpu.memory_space<hbm>>
    tpu.wait_dma2 semaphore(%arg11 : memref<!tpu.dma_semaphore, #tpu.memory_space<semaphore_mem>>) src(%dma_wait3A_88 : memref<128xi32, #tpu.memory_space<hbm>>) dst(%dma_wait3A_87 : memref<128xi32, #tpu.memory_space<vmem>>)
    %add3A_89 = arith.constant 0 : i32
    %add3A_90 = arith.addi %mul3A_14, %add3A_89 : i32
    %dma_wait3A_91 = arith.constant 0 : i32
    %dma_wait3A_92 = arith.constant 0 : i32
    %dma_wait3A_93 = tpu.memref_slice %arg8[%dma_wait3A_91, %dma_wait3A_92] : memref<4x128xi32, #tpu.memory_space<vmem>> -> memref<1x128xi32, #tpu.memory_space<vmem>>
    %dma_wait3A_94 = tpu.memref_squeeze %dma_wait3A_93 : memref<1x128xi32, #tpu.memory_space<vmem>> -> memref<128xi32, #tpu.memory_space<vmem>>
    %dma_wait3A_95 = tpu.memref_slice %arg5[%add3A_90] : memref<819200xi32, #tpu.memory_space<hbm>> -> memref<128xi32, #tpu.memory_space<hbm>>
    %dma_wait3A_96 = arith.constant 0 : i32
    %dma_wait3A_97 = tpu.memref_slice %arg8[%dma_wait3A_91, %dma_wait3A_96] : memref<4x128xi32, #tpu.memory_space<vmem>> -> memref<1x128xi32, #tpu.memory_space<vmem>>
    %dma_wait3A_98 = tpu.memref_squeeze %dma_wait3A_97 : memref<1x128xi32, #tpu.memory_space<vmem>> -> memref<128xi32, #tpu.memory_space<vmem>>
    %dma_wait3A_99 = tpu.memref_slice %arg5[%add3A_90] : memref<819200xi32, #tpu.memory_space<hbm>> -> memref<128xi32, #tpu.memory_space<hbm>>
    tpu.wait_dma2 semaphore(%arg11 : memref<!tpu.dma_semaphore, #tpu.memory_space<semaphore_mem>>) src(%dma_wait3A_99 : memref<128xi32, #tpu.memory_space<hbm>>) dst(%dma_wait3A_98 : memref<128xi32, #tpu.memory_space<vmem>>)
    %eq3A = arith.constant 0 : i32
    %eq3A_100 = arith.cmpi eq, %arg0, %eq3A : i32
    %convert_element_type3A = arith.extui %eq3A_100 : i1 to i32
    %cond3A = arith.constant 0 : i32
    %cond3A_101 = arith.cmpi ne, %convert_element_type3A, %cond3A : i32
    scf.if %cond3A_101 {
      %dma_start3A_166 = arith.constant 0 : i32
      %dma_start3A_167 = arith.constant 0 : i32
      %dma_start3A_168 = arith.constant 0 : i32
      %dma_start3A_169 = arith.constant 0 : i32
      %dma_start3A_170 = tpu.memref_slice %arg9[%dma_start3A_167, %dma_start3A_168, %dma_start3A_169] : memref<4x128x32xf32, #tpu.memory_space<vmem>> -> memref<1x128x32xf32, #tpu.memory_space<vmem>>
      %dma_start3A_171 = tpu.memref_squeeze %dma_start3A_170 : memref<1x128x32xf32, #tpu.memory_space<vmem>> -> memref<128x32xf32, #tpu.memory_space<vmem>>
      %dma_start3A_172 = arith.constant 0 : i32
      %dma_start3A_173 = tpu.memref_slice %arg7[%dma_start3A_166, %dma_start3A_172] : memref<4x128xi32, #tpu.memory_space<vmem>> -> memref<1x128xi32, #tpu.memory_space<vmem>>
      %dma_start3A_174 = tpu.memref_squeeze %dma_start3A_173 : memref<1x128xi32, #tpu.memory_space<vmem>> -> memref<128xi32, #tpu.memory_space<vmem>>
      %dma_start3A_175 = arith.constant 0 : i32
      %dma_start3A_176 = arith.constant 0 : i32
      %dma_start3A_177 = tpu.memref_slice %arg2[%dma_start3A_175, %dma_start3A_176] : memref<50000x32xf32, #tpu.memory_space<hbm>> -> memref<50000x32xf32, #tpu.memory_space<hbm>>
      tpu.enqueue_indirect_dma source(%dma_start3A_177 : memref<50000x32xf32, #tpu.memory_space<hbm>>) target(%dma_start3A_171 : memref<128x32xf32, #tpu.memory_space<vmem>>) offsets(%dma_start3A_174 : memref<128xi32, #tpu.memory_space<vmem>>) semaphore(%arg15 : memref<!tpu.dma_semaphore, #tpu.memory_space<semaphore_mem>>)
    } else {
    }
    %eq3A_102 = arith.constant 1 : i32
    %eq3A_103 = arith.cmpi eq, %arg0, %eq3A_102 : i32
    %convert_element_type3A_104 = arith.extui %eq3A_103 : i1 to i32
    %cond3A_105 = arith.constant 0 : i32
    %cond3A_106 = arith.cmpi ne, %convert_element_type3A_104, %cond3A_105 : i32
    scf.if %cond3A_106 {
      %dma_start3A_166 = arith.constant 0 : i32
      %dma_start3A_167 = arith.constant 0 : i32
      %dma_start3A_168 = arith.constant 0 : i32
      %dma_start3A_169 = arith.constant 0 : i32
      %dma_start3A_170 = tpu.memref_slice %arg9[%dma_start3A_167, %dma_start3A_168, %dma_start3A_169] : memref<4x128x32xf32, #tpu.memory_space<vmem>> -> memref<1x128x32xf32, #tpu.memory_space<vmem>>
      %dma_start3A_171 = tpu.memref_squeeze %dma_start3A_170 : memref<1x128x32xf32, #tpu.memory_space<vmem>> -> memref<128x32xf32, #tpu.memory_space<vmem>>
      %dma_start3A_172 = arith.constant 0 : i32
      %dma_start3A_173 = tpu.memref_slice %arg7[%dma_start3A_166, %dma_start3A_172] : memref<4x128xi32, #tpu.memory_space<vmem>> -> memref<1x128xi32, #tpu.memory_space<vmem>>
      %dma_start3A_174 = tpu.memref_squeeze %dma_start3A_173 : memref<1x128xi32, #tpu.memory_space<vmem>> -> memref<128xi32, #tpu.memory_space<vmem>>
      %dma_start3A_175 = arith.constant 0 : i32
      %dma_start3A_176 = arith.constant 0 : i32
      %dma_start3A_177 = tpu.memref_slice %arg3[%dma_start3A_175, %dma_start3A_176] : memref<50000x32xf32, #tpu.memory_space<hbm>> -> memref<50000x32xf32, #tpu.memory_space<hbm>>
      tpu.enqueue_indirect_dma source(%dma_start3A_177 : memref<50000x32xf32, #tpu.memory_space<hbm>>) target(%dma_start3A_171 : memref<128x32xf32, #tpu.memory_space<vmem>>) offsets(%dma_start3A_174 : memref<128xi32, #tpu.memory_space<vmem>>) semaphore(%arg15 : memref<!tpu.dma_semaphore, #tpu.memory_space<semaphore_mem>>)
    } else {
    }
    %add3A_107 = arith.constant 128 : i32
    %add3A_108 = arith.addi %mul3A_14, %add3A_107 : i32
    %dma_wait3A_109 = arith.constant 1 : i32
    %dma_wait3A_110 = arith.constant 0 : i32
    %dma_wait3A_111 = tpu.memref_slice %arg7[%dma_wait3A_109, %dma_wait3A_110] : memref<4x128xi32, #tpu.memory_space<vmem>> -> memref<1x128xi32, #tpu.memory_space<vmem>>
    %dma_wait3A_112 = tpu.memref_squeeze %dma_wait3A_111 : memref<1x128xi32, #tpu.memory_space<vmem>> -> memref<128xi32, #tpu.memory_space<vmem>>
    %dma_wait3A_113 = tpu.memref_slice %arg4[%add3A_108] : memref<819200xi32, #tpu.memory_space<hbm>> -> memref<128xi32, #tpu.memory_space<hbm>>
    %dma_wait3A_114 = arith.constant 0 : i32
    %dma_wait3A_115 = tpu.memref_slice %arg7[%dma_wait3A_109, %dma_wait3A_114] : memref<4x128xi32, #tpu.memory_space<vmem>> -> memref<1x128xi32, #tpu.memory_space<vmem>>
    %dma_wait3A_116 = tpu.memref_squeeze %dma_wait3A_115 : memref<1x128xi32, #tpu.memory_space<vmem>> -> memref<128xi32, #tpu.memory_space<vmem>>
    %dma_wait3A_117 = tpu.memref_slice %arg4[%add3A_108] : memref<819200xi32, #tpu.memory_space<hbm>> -> memref<128xi32, #tpu.memory_space<hbm>>
    tpu.wait_dma2 semaphore(%arg12 : memref<!tpu.dma_semaphore, #tpu.memory_space<semaphore_mem>>) src(%dma_wait3A_117 : memref<128xi32, #tpu.memory_space<hbm>>) dst(%dma_wait3A_116 : memref<128xi32, #tpu.memory_space<vmem>>)
    %add3A_118 = arith.constant 128 : i32
    %add3A_119 = arith.addi %mul3A_14, %add3A_118 : i32
    %dma_wait3A_120 = arith.constant 1 : i32
    %dma_wait3A_121 = arith.constant 0 : i32
    %dma_wait3A_122 = tpu.memref_slice %arg8[%dma_wait3A_120, %dma_wait3A_121] : memref<4x128xi32, #tpu.memory_space<vmem>> -> memref<1x128xi32, #tpu.memory_space<vmem>>
    %dma_wait3A_123 = tpu.memref_squeeze %dma_wait3A_122 : memref<1x128xi32, #tpu.memory_space<vmem>> -> memref<128xi32, #tpu.memory_space<vmem>>
    %dma_wait3A_124 = tpu.memref_slice %arg5[%add3A_119] : memref<819200xi32, #tpu.memory_space<hbm>> -> memref<128xi32, #tpu.memory_space<hbm>>
    %dma_wait3A_125 = arith.constant 0 : i32
    %dma_wait3A_126 = tpu.memref_slice %arg8[%dma_wait3A_120, %dma_wait3A_125] : memref<4x128xi32, #tpu.memory_space<vmem>> -> memref<1x128xi32, #tpu.memory_space<vmem>>
    %dma_wait3A_127 = tpu.memref_squeeze %dma_wait3A_126 : memref<1x128xi32, #tpu.memory_space<vmem>> -> memref<128xi32, #tpu.memory_space<vmem>>
    %dma_wait3A_128 = tpu.memref_slice %arg5[%add3A_119] : memref<819200xi32, #tpu.memory_space<hbm>> -> memref<128xi32, #tpu.memory_space<hbm>>
    tpu.wait_dma2 semaphore(%arg12 : memref<!tpu.dma_semaphore, #tpu.memory_space<semaphore_mem>>) src(%dma_wait3A_128 : memref<128xi32, #tpu.memory_space<hbm>>) dst(%dma_wait3A_127 : memref<128xi32, #tpu.memory_space<vmem>>)
    %eq3A_129 = arith.constant 0 : i32
    %eq3A_130 = arith.cmpi eq, %arg0, %eq3A_129 : i32
    %convert_element_type3A_131 = arith.extui %eq3A_130 : i1 to i32
    %cond3A_132 = arith.constant 0 : i32
    %cond3A_133 = arith.cmpi ne, %convert_element_type3A_131, %cond3A_132 : i32
    scf.if %cond3A_133 {
      %dma_start3A_166 = arith.constant 1 : i32
      %dma_start3A_167 = arith.constant 1 : i32
      %dma_start3A_168 = arith.constant 0 : i32
      %dma_start3A_169 = arith.constant 0 : i32
      %dma_start3A_170 = tpu.memref_slice %arg9[%dma_start3A_167, %dma_start3A_168, %dma_start3A_169] : memref<4x128x32xf32, #tpu.memory_space<vmem>> -> memref<1x128x32xf32, #tpu.memory_space<vmem>>
      %dma_start3A_171 = tpu.memref_squeeze %dma_start3A_170 : memref<1x128x32xf32, #tpu.memory_space<vmem>> -> memref<128x32xf32, #tpu.memory_space<vmem>>
      %dma_start3A_172 = arith.constant 0 : i32
      %dma_start3A_173 = tpu.memref_slice %arg7[%dma_start3A_166, %dma_start3A_172] : memref<4x128xi32, #tpu.memory_space<vmem>> -> memref<1x128xi32, #tpu.memory_space<vmem>>
      %dma_start3A_174 = tpu.memref_squeeze %dma_start3A_173 : memref<1x128xi32, #tpu.memory_space<vmem>> -> memref<128xi32, #tpu.memory_space<vmem>>
      %dma_start3A_175 = arith.constant 0 : i32
      %dma_start3A_176 = arith.constant 0 : i32
      %dma_start3A_177 = tpu.memref_slice %arg2[%dma_start3A_175, %dma_start3A_176] : memref<50000x32xf32, #tpu.memory_space<hbm>> -> memref<50000x32xf32, #tpu.memory_space<hbm>>
      tpu.enqueue_indirect_dma source(%dma_start3A_177 : memref<50000x32xf32, #tpu.memory_space<hbm>>) target(%dma_start3A_171 : memref<128x32xf32, #tpu.memory_space<vmem>>) offsets(%dma_start3A_174 : memref<128xi32, #tpu.memory_space<vmem>>) semaphore(%arg16 : memref<!tpu.dma_semaphore, #tpu.memory_space<semaphore_mem>>)
    } else {
    }
    %eq3A_134 = arith.constant 1 : i32
    %eq3A_135 = arith.cmpi eq, %arg0, %eq3A_134 : i32
    %convert_element_type3A_136 = arith.extui %eq3A_135 : i1 to i32
    %cond3A_137 = arith.constant 0 : i32
    %cond3A_138 = arith.cmpi ne, %convert_element_type3A_136, %cond3A_137 : i32
    scf.if %cond3A_138 {
      %dma_start3A_166 = arith.constant 1 : i32
      %dma_start3A_167 = arith.constant 1 : i32
      %dma_start3A_168 = arith.constant 0 : i32
      %dma_start3A_169 = arith.constant 0 : i32
      %dma_start3A_170 = tpu.memref_slice %arg9[%dma_start3A_167, %dma_start3A_168, %dma_start3A_169] : memref<4x128x32xf32, #tpu.memory_space<vmem>> -> memref<1x128x32xf32, #tpu.memory_space<vmem>>
      %dma_start3A_171 = tpu.memref_squeeze %dma_start3A_170 : memref<1x128x32xf32, #tpu.memory_space<vmem>> -> memref<128x32xf32, #tpu.memory_space<vmem>>
      %dma_start3A_172 = arith.constant 0 : i32
      %dma_start3A_173 = tpu.memref_slice %arg7[%dma_start3A_166, %dma_start3A_172] : memref<4x128xi32, #tpu.memory_space<vmem>> -> memref<1x128xi32, #tpu.memory_space<vmem>>
      %dma_start3A_174 = tpu.memref_squeeze %dma_start3A_173 : memref<1x128xi32, #tpu.memory_space<vmem>> -> memref<128xi32, #tpu.memory_space<vmem>>
      %dma_start3A_175 = arith.constant 0 : i32
      %dma_start3A_176 = arith.constant 0 : i32
      %dma_start3A_177 = tpu.memref_slice %arg3[%dma_start3A_175, %dma_start3A_176] : memref<50000x32xf32, #tpu.memory_space<hbm>> -> memref<50000x32xf32, #tpu.memory_space<hbm>>
      tpu.enqueue_indirect_dma source(%dma_start3A_177 : memref<50000x32xf32, #tpu.memory_space<hbm>>) target(%dma_start3A_171 : memref<128x32xf32, #tpu.memory_space<vmem>>) offsets(%dma_start3A_174 : memref<128xi32, #tpu.memory_space<vmem>>) semaphore(%arg16 : memref<!tpu.dma_semaphore, #tpu.memory_space<semaphore_mem>>)
    } else {
    }
    %scan3A_139 = arith.constant 0 : i32
    %scan3A_140 = arith.constant 0 : i32
    %scan3A_141 = arith.constant 100 : i32
    %scan3A_142 = arith.addi %scan3A_140, %scan3A_141 : i32
    %scan3A_143 = arith.constant 1 : i32
    %scan3A_144 = scf.for %scan3A_166 = %scan3A_140 to %scan3A_142 step %scan3A_143 iter_args(%scan3A_167 = %scan3A_139) -> (i32)  : i32 {
      %mul3A_168 = arith.constant 4 : i32
      %mul3A_169 = arith.muli %scan3A_166, %mul3A_168 : i32
      %add3A_170 = arith.constant 0 : i32
      %add3A_171 = arith.addi %mul3A_169, %add3A_170 : i32
      %dma_wait3A_172 = arith.constant 0 : i32
      %dma_wait3A_173 = arith.constant 0 : i32
      %dma_wait3A_174 = arith.constant 0 : i32
      %dma_wait3A_175 = arith.constant 0 : i32
      %dma_wait3A_176 = tpu.memref_slice %arg9[%dma_wait3A_173, %dma_wait3A_174, %dma_wait3A_175] : memref<4x128x32xf32, #tpu.memory_space<vmem>> -> memref<1x128x32xf32, #tpu.memory_space<vmem>>
      %dma_wait3A_177 = tpu.memref_squeeze %dma_wait3A_176 : memref<1x128x32xf32, #tpu.memory_space<vmem>> -> memref<128x32xf32, #tpu.memory_space<vmem>>
      %dma_wait3A_178 = arith.constant 0 : i32
      %dma_wait3A_179 = tpu.memref_slice %arg7[%dma_wait3A_172, %dma_wait3A_178] : memref<4x128xi32, #tpu.memory_space<vmem>> -> memref<1x128xi32, #tpu.memory_space<vmem>>
      %dma_wait3A_180 = tpu.memref_squeeze %dma_wait3A_179 : memref<1x128xi32, #tpu.memory_space<vmem>> -> memref<128xi32, #tpu.memory_space<vmem>>
      %dma_wait3A_181 = arith.constant 0 : i32
      %dma_wait3A_182 = arith.constant 0 : i32
      %dma_wait3A_183 = tpu.memref_slice %arg2[%dma_wait3A_181, %dma_wait3A_182] : memref<50000x32xf32, #tpu.memory_space<hbm>> -> memref<50000x32xf32, #tpu.memory_space<hbm>>
      tpu.wait_indirect_dma semaphore(%arg15 : memref<!tpu.dma_semaphore, #tpu.memory_space<semaphore_mem>>) src(%dma_wait3A_183 : memref<50000x32xf32, #tpu.memory_space<hbm>>) dst(%dma_wait3A_177 : memref<128x32xf32, #tpu.memory_space<vmem>>)
      %dma_start3A_184 = arith.constant 0 : i32
      %dma_start3A_185 = arith.constant 0 : i32
      %dma_start3A_186 = arith.constant 0 : i32
      %dma_start3A_187 = arith.constant 0 : i32
      %dma_start3A_188 = tpu.memref_slice %arg9[%dma_start3A_184, %dma_start3A_186, %dma_start3A_187] : memref<4x128x32xf32, #tpu.memory_space<vmem>> -> memref<1x128x32xf32, #tpu.memory_space<vmem>>
      %dma_start3A_189 = tpu.memref_squeeze %dma_start3A_188 : memref<1x128x32xf32, #tpu.memory_space<vmem>> -> memref<128x32xf32, #tpu.memory_space<vmem>>
      %dma_start3A_190 = arith.constant 0 : i32
      %dma_start3A_191 = tpu.memref_slice %arg8[%dma_start3A_185, %dma_start3A_190] : memref<4x128xi32, #tpu.memory_space<vmem>> -> memref<1x128xi32, #tpu.memory_space<vmem>>
      %dma_start3A_192 = tpu.memref_squeeze %dma_start3A_191 : memref<1x128xi32, #tpu.memory_space<vmem>> -> memref<128xi32, #tpu.memory_space<vmem>>
      %dma_start3A_193 = arith.constant 0 : i32
      %dma_start3A_194 = arith.constant 0 : i32
      %dma_start3A_195 = tpu.memref_slice %arg10[%dma_start3A_193, %dma_start3A_194] : memref<50048x32xf32, #tpu.memory_space<vmem_shared>> -> memref<50048x32xf32, #tpu.memory_space<vmem_shared>>
      tpu.enqueue_indirect_dma source(%dma_start3A_189 : memref<128x32xf32, #tpu.memory_space<vmem>>) target(%dma_start3A_195 : memref<50048x32xf32, #tpu.memory_space<vmem_shared>>) offsets(%dma_start3A_192 : memref<128xi32, #tpu.memory_space<vmem>>) semaphore(%arg19 : memref<!tpu.dma_semaphore, #tpu.memory_space<semaphore_mem>>) {add = true}
      %ge3A = arith.constant 1 : i32
      %ge3A_196 = arith.cmpi sge, %add3A_171, %ge3A : i32
      %convert_element_type3A_197 = arith.extui %ge3A_196 : i1 to i32
      %cond3A_198 = arith.constant 0 : i32
      %cond3A_199 = arith.cmpi ne, %convert_element_type3A_197, %cond3A_198 : i32
      scf.if %cond3A_199 {
        %sub3A_370 = arith.constant 1 : i32
        %sub3A_371 = arith.subi %add3A_171, %sub3A_370 : i32
        %dma_wait3A_372 = arith.constant 3 : i32
        %dma_wait3A_373 = arith.constant 3 : i32
        %dma_wait3A_374 = arith.constant 0 : i32
        %dma_wait3A_375 = arith.constant 0 : i32
        %dma_wait3A_376 = tpu.memref_slice %arg9[%dma_wait3A_372, %dma_wait3A_374, %dma_wait3A_375] : memref<4x128x32xf32, #tpu.memory_space<vmem>> -> memref<1x128x32xf32, #tpu.memory_space<vmem>>
        %dma_wait3A_377 = tpu.memref_squeeze %dma_wait3A_376 : memref<1x128x32xf32, #tpu.memory_space<vmem>> -> memref<128x32xf32, #tpu.memory_space<vmem>>
        %dma_wait3A_378 = arith.constant 0 : i32
        %dma_wait3A_379 = tpu.memref_slice %arg8[%dma_wait3A_373, %dma_wait3A_378] : memref<4x128xi32, #tpu.memory_space<vmem>> -> memref<1x128xi32, #tpu.memory_space<vmem>>
        %dma_wait3A_380 = tpu.memref_squeeze %dma_wait3A_379 : memref<1x128xi32, #tpu.memory_space<vmem>> -> memref<128xi32, #tpu.memory_space<vmem>>
        %dma_wait3A_381 = arith.constant 0 : i32
        %dma_wait3A_382 = arith.constant 0 : i32
        %dma_wait3A_383 = tpu.memref_slice %arg10[%dma_wait3A_381, %dma_wait3A_382] : memref<50048x32xf32, #tpu.memory_space<vmem_shared>> -> memref<50048x32xf32, #tpu.memory_space<vmem_shared>>
        tpu.wait_indirect_dma semaphore(%arg22 : memref<!tpu.dma_semaphore, #tpu.memory_space<semaphore_mem>>) src(%dma_wait3A_377 : memref<128x32xf32, #tpu.memory_space<vmem>>) dst(%dma_wait3A_383 : memref<50048x32xf32, #tpu.memory_space<vmem_shared>>)
      } else {
      }
      %add3A_200 = arith.constant 4 : i32
      %add3A_201 = arith.addi %add3A_171, %add3A_200 : i32
      %sub3A = arith.constant 1 : i32
      %sub3A_202 = arith.subi %add3A_201, %sub3A : i32
      %lt3A = arith.constant 400 : i32
      %lt3A_203 = arith.cmpi slt, %sub3A_202, %lt3A : i32
      %convert_element_type3A_204 = arith.extui %lt3A_203 : i1 to i32
      %cond3A_205 = arith.constant 0 : i32
      %cond3A_206 = arith.cmpi ne, %convert_element_type3A_204, %cond3A_205 : i32
      scf.if %cond3A_206 {
        %add3A_370 = arith.constant 4 : i32
        %add3A_371 = arith.addi %add3A_171, %add3A_370 : i32
        %sub3A_372 = arith.constant 1 : i32
        %sub3A_373 = arith.subi %add3A_371, %sub3A_372 : i32
        %mul3A_374 = arith.constant 128 : i32
        %mul3A_375 = arith.muli %sub3A_373, %mul3A_374 : i32
        %add3A_376 = arith.addi %mul3A_14, %mul3A_375 : i32
        %dma_start3A_377 = arith.constant 3 : i32
        %dma_start3A_378 = arith.constant 0 : i32
        %dma_start3A_379 = tpu.memref_slice %arg7[%dma_start3A_377, %dma_start3A_378] : memref<4x128xi32, #tpu.memory_space<vmem>> -> memref<1x128xi32, #tpu.memory_space<vmem>>
        %dma_start3A_380 = tpu.memref_squeeze %dma_start3A_379 : memref<1x128xi32, #tpu.memory_space<vmem>> -> memref<128xi32, #tpu.memory_space<vmem>>
        %dma_start3A_381 = tpu.memref_slice %arg4[%add3A_376] : memref<819200xi32, #tpu.memory_space<hbm>> -> memref<128xi32, #tpu.memory_space<hbm>>
        %dma_start3A_382 = arith.constant 0 : i32
        %dma_start3A_383 = tpu.memref_slice %arg7[%dma_start3A_377, %dma_start3A_382] : memref<4x128xi32, #tpu.memory_space<vmem>> -> memref<1x128xi32, #tpu.memory_space<vmem>>
        %dma_start3A_384 = tpu.memref_squeeze %dma_start3A_383 : memref<1x128xi32, #tpu.memory_space<vmem>> -> memref<128xi32, #tpu.memory_space<vmem>>
        %dma_start3A_385 = tpu.memref_slice %arg4[%add3A_376] : memref<819200xi32, #tpu.memory_space<hbm>> -> memref<128xi32, #tpu.memory_space<hbm>>
        tpu.enqueue_dma source(%dma_start3A_385 : memref<128xi32, #tpu.memory_space<hbm>>) target(%dma_start3A_384 : memref<128xi32, #tpu.memory_space<vmem>>) target_semaphore(%arg14 : memref<!tpu.dma_semaphore, #tpu.memory_space<semaphore_mem>>)
        %mul3A_386 = arith.constant 128 : i32
        %mul3A_387 = arith.muli %sub3A_373, %mul3A_386 : i32
        %add3A_388 = arith.addi %mul3A_14, %mul3A_387 : i32
        %dma_start3A_389 = arith.constant 3 : i32
        %dma_start3A_390 = arith.constant 0 : i32
        %dma_start3A_391 = tpu.memref_slice %arg8[%dma_start3A_389, %dma_start3A_390] : memref<4x128xi32, #tpu.memory_space<vmem>> -> memref<1x128xi32, #tpu.memory_space<vmem>>
        %dma_start3A_392 = tpu.memref_squeeze %dma_start3A_391 : memref<1x128xi32, #tpu.memory_space<vmem>> -> memref<128xi32, #tpu.memory_space<vmem>>
        %dma_start3A_393 = tpu.memref_slice %arg5[%add3A_388] : memref<819200xi32, #tpu.memory_space<hbm>> -> memref<128xi32, #tpu.memory_space<hbm>>
        %dma_start3A_394 = arith.constant 0 : i32
        %dma_start3A_395 = tpu.memref_slice %arg8[%dma_start3A_389, %dma_start3A_394] : memref<4x128xi32, #tpu.memory_space<vmem>> -> memref<1x128xi32, #tpu.memory_space<vmem>>
        %dma_start3A_396 = tpu.memref_squeeze %dma_start3A_395 : memref<1x128xi32, #tpu.memory_space<vmem>> -> memref<128xi32, #tpu.memory_space<vmem>>
        %dma_start3A_397 = tpu.memref_slice %arg5[%add3A_388] : memref<819200xi32, #tpu.memory_space<hbm>> -> memref<128xi32, #tpu.memory_space<hbm>>
        tpu.enqueue_dma source(%dma_start3A_397 : memref<128xi32, #tpu.memory_space<hbm>>) target(%dma_start3A_396 : memref<128xi32, #tpu.memory_space<vmem>>) target_semaphore(%arg14 : memref<!tpu.dma_semaphore, #tpu.memory_space<semaphore_mem>>)
      } else {
      }
      %add3A_207 = arith.constant 4 : i32
      %add3A_208 = arith.addi %add3A_171, %add3A_207 : i32
      %sub3A_209 = arith.constant 2 : i32
      %sub3A_210 = arith.subi %add3A_208, %sub3A_209 : i32
      %lt3A_211 = arith.constant 400 : i32
      %lt3A_212 = arith.cmpi slt, %sub3A_210, %lt3A_211 : i32
      %convert_element_type3A_213 = arith.extui %lt3A_212 : i1 to i32
      %cond3A_214 = arith.constant 0 : i32
      %cond3A_215 = arith.cmpi ne, %convert_element_type3A_213, %cond3A_214 : i32
      scf.if %cond3A_215 {
        %add3A_370 = arith.constant 4 : i32
        %add3A_371 = arith.addi %add3A_171, %add3A_370 : i32
        %sub3A_372 = arith.constant 2 : i32
        %sub3A_373 = arith.subi %add3A_371, %sub3A_372 : i32
        %mul3A_374 = arith.constant 128 : i32
        %mul3A_375 = arith.muli %sub3A_373, %mul3A_374 : i32
        %add3A_376 = arith.addi %mul3A_14, %mul3A_375 : i32
        %dma_wait3A_377 = arith.constant 2 : i32
        %dma_wait3A_378 = arith.constant 0 : i32
        %dma_wait3A_379 = tpu.memref_slice %arg7[%dma_wait3A_377, %dma_wait3A_378] : memref<4x128xi32, #tpu.memory_space<vmem>> -> memref<1x128xi32, #tpu.memory_space<vmem>>
        %dma_wait3A_380 = tpu.memref_squeeze %dma_wait3A_379 : memref<1x128xi32, #tpu.memory_space<vmem>> -> memref<128xi32, #tpu.memory_space<vmem>>
        %dma_wait3A_381 = tpu.memref_slice %arg4[%add3A_376] : memref<819200xi32, #tpu.memory_space<hbm>> -> memref<128xi32, #tpu.memory_space<hbm>>
        %dma_wait3A_382 = arith.constant 0 : i32
        %dma_wait3A_383 = tpu.memref_slice %arg7[%dma_wait3A_377, %dma_wait3A_382] : memref<4x128xi32, #tpu.memory_space<vmem>> -> memref<1x128xi32, #tpu.memory_space<vmem>>
        %dma_wait3A_384 = tpu.memref_squeeze %dma_wait3A_383 : memref<1x128xi32, #tpu.memory_space<vmem>> -> memref<128xi32, #tpu.memory_space<vmem>>
        %dma_wait3A_385 = tpu.memref_slice %arg4[%add3A_376] : memref<819200xi32, #tpu.memory_space<hbm>> -> memref<128xi32, #tpu.memory_space<hbm>>
        tpu.wait_dma2 semaphore(%arg13 : memref<!tpu.dma_semaphore, #tpu.memory_space<semaphore_mem>>) src(%dma_wait3A_385 : memref<128xi32, #tpu.memory_space<hbm>>) dst(%dma_wait3A_384 : memref<128xi32, #tpu.memory_space<vmem>>)
        %mul3A_386 = arith.constant 128 : i32
        %mul3A_387 = arith.muli %sub3A_373, %mul3A_386 : i32
        %add3A_388 = arith.addi %mul3A_14, %mul3A_387 : i32
        %dma_wait3A_389 = arith.constant 2 : i32
        %dma_wait3A_390 = arith.constant 0 : i32
        %dma_wait3A_391 = tpu.memref_slice %arg8[%dma_wait3A_389, %dma_wait3A_390] : memref<4x128xi32, #tpu.memory_space<vmem>> -> memref<1x128xi32, #tpu.memory_space<vmem>>
        %dma_wait3A_392 = tpu.memref_squeeze %dma_wait3A_391 : memref<1x128xi32, #tpu.memory_space<vmem>> -> memref<128xi32, #tpu.memory_space<vmem>>
        %dma_wait3A_393 = tpu.memref_slice %arg5[%add3A_388] : memref<819200xi32, #tpu.memory_space<hbm>> -> memref<128xi32, #tpu.memory_space<hbm>>
        %dma_wait3A_394 = arith.constant 0 : i32
        %dma_wait3A_395 = tpu.memref_slice %arg8[%dma_wait3A_389, %dma_wait3A_394] : memref<4x128xi32, #tpu.memory_space<vmem>> -> memref<1x128xi32, #tpu.memory_space<vmem>>
        %dma_wait3A_396 = tpu.memref_squeeze %dma_wait3A_395 : memref<1x128xi32, #tpu.memory_space<vmem>> -> memref<128xi32, #tpu.memory_space<vmem>>
        %dma_wait3A_397 = tpu.memref_slice %arg5[%add3A_388] : memref<819200xi32, #tpu.memory_space<hbm>> -> memref<128xi32, #tpu.memory_space<hbm>>
        tpu.wait_dma2 semaphore(%arg13 : memref<!tpu.dma_semaphore, #tpu.memory_space<semaphore_mem>>) src(%dma_wait3A_397 : memref<128xi32, #tpu.memory_space<hbm>>) dst(%dma_wait3A_396 : memref<128xi32, #tpu.memory_space<vmem>>)
        %add3A_398 = arith.constant 4 : i32
        %add3A_399 = arith.addi %add3A_171, %add3A_398 : i32
        %sub3A_400 = arith.constant 2 : i32
        %sub3A_401 = arith.subi %add3A_399, %sub3A_400 : i32
        %eq3A_402 = arith.constant 0 : i32
        %eq3A_403 = arith.cmpi eq, %arg0, %eq3A_402 : i32
        %convert_element_type3A_404 = arith.extui %eq3A_403 : i1 to i32
        %cond3A_405 = arith.constant 0 : i32
        %cond3A_406 = arith.cmpi ne, %convert_element_type3A_404, %cond3A_405 : i32
        scf.if %cond3A_406 {
          %dma_start3A_412 = arith.constant 2 : i32
          %dma_start3A_413 = arith.constant 2 : i32
          %dma_start3A_414 = arith.constant 0 : i32
          %dma_start3A_415 = arith.constant 0 : i32
          %dma_start3A_416 = tpu.memref_slice %arg9[%dma_start3A_413, %dma_start3A_414, %dma_start3A_415] : memref<4x128x32xf32, #tpu.memory_space<vmem>> -> memref<1x128x32xf32, #tpu.memory_space<vmem>>
          %dma_start3A_417 = tpu.memref_squeeze %dma_start3A_416 : memref<1x128x32xf32, #tpu.memory_space<vmem>> -> memref<128x32xf32, #tpu.memory_space<vmem>>
          %dma_start3A_418 = arith.constant 0 : i32
          %dma_start3A_419 = tpu.memref_slice %arg7[%dma_start3A_412, %dma_start3A_418] : memref<4x128xi32, #tpu.memory_space<vmem>> -> memref<1x128xi32, #tpu.memory_space<vmem>>
          %dma_start3A_420 = tpu.memref_squeeze %dma_start3A_419 : memref<1x128xi32, #tpu.memory_space<vmem>> -> memref<128xi32, #tpu.memory_space<vmem>>
          %dma_start3A_421 = arith.constant 0 : i32
          %dma_start3A_422 = arith.constant 0 : i32
          %dma_start3A_423 = tpu.memref_slice %arg2[%dma_start3A_421, %dma_start3A_422] : memref<50000x32xf32, #tpu.memory_space<hbm>> -> memref<50000x32xf32, #tpu.memory_space<hbm>>
          tpu.enqueue_indirect_dma source(%dma_start3A_423 : memref<50000x32xf32, #tpu.memory_space<hbm>>) target(%dma_start3A_417 : memref<128x32xf32, #tpu.memory_space<vmem>>) offsets(%dma_start3A_420 : memref<128xi32, #tpu.memory_space<vmem>>) semaphore(%arg17 : memref<!tpu.dma_semaphore, #tpu.memory_space<semaphore_mem>>)
        } else {
        }
        %eq3A_407 = arith.constant 1 : i32
        %eq3A_408 = arith.cmpi eq, %arg0, %eq3A_407 : i32
        %convert_element_type3A_409 = arith.extui %eq3A_408 : i1 to i32
        %cond3A_410 = arith.constant 0 : i32
        %cond3A_411 = arith.cmpi ne, %convert_element_type3A_409, %cond3A_410 : i32
        scf.if %cond3A_411 {
          %dma_start3A_412 = arith.constant 2 : i32
          %dma_start3A_413 = arith.constant 2 : i32
          %dma_start3A_414 = arith.constant 0 : i32
          %dma_start3A_415 = arith.constant 0 : i32
          %dma_start3A_416 = tpu.memref_slice %arg9[%dma_start3A_413, %dma_start3A_414, %dma_start3A_415] : memref<4x128x32xf32, #tpu.memory_space<vmem>> -> memref<1x128x32xf32, #tpu.memory_space<vmem>>
          %dma_start3A_417 = tpu.memref_squeeze %dma_start3A_416 : memref<1x128x32xf32, #tpu.memory_space<vmem>> -> memref<128x32xf32, #tpu.memory_space<vmem>>
          %dma_start3A_418 = arith.constant 0 : i32
          %dma_start3A_419 = tpu.memref_slice %arg7[%dma_start3A_412, %dma_start3A_418] : memref<4x128xi32, #tpu.memory_space<vmem>> -> memref<1x128xi32, #tpu.memory_space<vmem>>
          %dma_start3A_420 = tpu.memref_squeeze %dma_start3A_419 : memref<1x128xi32, #tpu.memory_space<vmem>> -> memref<128xi32, #tpu.memory_space<vmem>>
          %dma_start3A_421 = arith.constant 0 : i32
          %dma_start3A_422 = arith.constant 0 : i32
          %dma_start3A_423 = tpu.memref_slice %arg3[%dma_start3A_421, %dma_start3A_422] : memref<50000x32xf32, #tpu.memory_space<hbm>> -> memref<50000x32xf32, #tpu.memory_space<hbm>>
          tpu.enqueue_indirect_dma source(%dma_start3A_423 : memref<50000x32xf32, #tpu.memory_space<hbm>>) target(%dma_start3A_417 : memref<128x32xf32, #tpu.memory_space<vmem>>) offsets(%dma_start3A_420 : memref<128xi32, #tpu.memory_space<vmem>>) semaphore(%arg17 : memref<!tpu.dma_semaphore, #tpu.memory_space<semaphore_mem>>)
        } else {
        }
      } else {
      }
      %mul3A_216 = arith.constant 4 : i32
      %mul3A_217 = arith.muli %scan3A_166, %mul3A_216 : i32
      %add3A_218 = arith.constant 1 : i32
      %add3A_219 = arith.addi %mul3A_217, %add3A_218 : i32
      %dma_wait3A_220 = arith.constant 1 : i32
      %dma_wait3A_221 = arith.constant 1 : i32
      %dma_wait3A_222 = arith.constant 0 : i32
      %dma_wait3A_223 = arith.constant 0 : i32
      %dma_wait3A_224 = tpu.memref_slice %arg9[%dma_wait3A_221, %dma_wait3A_222, %dma_wait3A_223] : memref<4x128x32xf32, #tpu.memory_space<vmem>> -> memref<1x128x32xf32, #tpu.memory_space<vmem>>
      %dma_wait3A_225 = tpu.memref_squeeze %dma_wait3A_224 : memref<1x128x32xf32, #tpu.memory_space<vmem>> -> memref<128x32xf32, #tpu.memory_space<vmem>>
      %dma_wait3A_226 = arith.constant 0 : i32
      %dma_wait3A_227 = tpu.memref_slice %arg7[%dma_wait3A_220, %dma_wait3A_226] : memref<4x128xi32, #tpu.memory_space<vmem>> -> memref<1x128xi32, #tpu.memory_space<vmem>>
      %dma_wait3A_228 = tpu.memref_squeeze %dma_wait3A_227 : memref<1x128xi32, #tpu.memory_space<vmem>> -> memref<128xi32, #tpu.memory_space<vmem>>
      %dma_wait3A_229 = arith.constant 0 : i32
      %dma_wait3A_230 = arith.constant 0 : i32
      %dma_wait3A_231 = tpu.memref_slice %arg2[%dma_wait3A_229, %dma_wait3A_230] : memref<50000x32xf32, #tpu.memory_space<hbm>> -> memref<50000x32xf32, #tpu.memory_space<hbm>>
      tpu.wait_indirect_dma semaphore(%arg16 : memref<!tpu.dma_semaphore, #tpu.memory_space<semaphore_mem>>) src(%dma_wait3A_231 : memref<50000x32xf32, #tpu.memory_space<hbm>>) dst(%dma_wait3A_225 : memref<128x32xf32, #tpu.memory_space<vmem>>)
      %dma_start3A_232 = arith.constant 1 : i32
      %dma_start3A_233 = arith.constant 1 : i32
      %dma_start3A_234 = arith.constant 0 : i32
      %dma_start3A_235 = arith.constant 0 : i32
      %dma_start3A_236 = tpu.memref_slice %arg9[%dma_start3A_232, %dma_start3A_234, %dma_start3A_235] : memref<4x128x32xf32, #tpu.memory_space<vmem>> -> memref<1x128x32xf32, #tpu.memory_space<vmem>>
      %dma_start3A_237 = tpu.memref_squeeze %dma_start3A_236 : memref<1x128x32xf32, #tpu.memory_space<vmem>> -> memref<128x32xf32, #tpu.memory_space<vmem>>
      %dma_start3A_238 = arith.constant 0 : i32
      %dma_start3A_239 = tpu.memref_slice %arg8[%dma_start3A_233, %dma_start3A_238] : memref<4x128xi32, #tpu.memory_space<vmem>> -> memref<1x128xi32, #tpu.memory_space<vmem>>
      %dma_start3A_240 = tpu.memref_squeeze %dma_start3A_239 : memref<1x128xi32, #tpu.memory_space<vmem>> -> memref<128xi32, #tpu.memory_space<vmem>>
      %dma_start3A_241 = arith.constant 0 : i32
      %dma_start3A_242 = arith.constant 0 : i32
      %dma_start3A_243 = tpu.memref_slice %arg10[%dma_start3A_241, %dma_start3A_242] : memref<50048x32xf32, #tpu.memory_space<vmem_shared>> -> memref<50048x32xf32, #tpu.memory_space<vmem_shared>>
      tpu.enqueue_indirect_dma source(%dma_start3A_237 : memref<128x32xf32, #tpu.memory_space<vmem>>) target(%dma_start3A_243 : memref<50048x32xf32, #tpu.memory_space<vmem_shared>>) offsets(%dma_start3A_240 : memref<128xi32, #tpu.memory_space<vmem>>) semaphore(%arg20 : memref<!tpu.dma_semaphore, #tpu.memory_space<semaphore_mem>>) {add = true}
      %ge3A_244 = arith.constant 1 : i32
      %ge3A_245 = arith.cmpi sge, %add3A_219, %ge3A_244 : i32
      %convert_element_type3A_246 = arith.extui %ge3A_245 : i1 to i32
      %cond3A_247 = arith.constant 0 : i32
      %cond3A_248 = arith.cmpi ne, %convert_element_type3A_246, %cond3A_247 : i32
      scf.if %cond3A_248 {
        %sub3A_370 = arith.constant 1 : i32
        %sub3A_371 = arith.subi %add3A_219, %sub3A_370 : i32
        %dma_wait3A_372 = arith.constant 0 : i32
        %dma_wait3A_373 = arith.constant 0 : i32
        %dma_wait3A_374 = arith.constant 0 : i32
        %dma_wait3A_375 = arith.constant 0 : i32
        %dma_wait3A_376 = tpu.memref_slice %arg9[%dma_wait3A_372, %dma_wait3A_374, %dma_wait3A_375] : memref<4x128x32xf32, #tpu.memory_space<vmem>> -> memref<1x128x32xf32, #tpu.memory_space<vmem>>
        %dma_wait3A_377 = tpu.memref_squeeze %dma_wait3A_376 : memref<1x128x32xf32, #tpu.memory_space<vmem>> -> memref<128x32xf32, #tpu.memory_space<vmem>>
        %dma_wait3A_378 = arith.constant 0 : i32
        %dma_wait3A_379 = tpu.memref_slice %arg8[%dma_wait3A_373, %dma_wait3A_378] : memref<4x128xi32, #tpu.memory_space<vmem>> -> memref<1x128xi32, #tpu.memory_space<vmem>>
        %dma_wait3A_380 = tpu.memref_squeeze %dma_wait3A_379 : memref<1x128xi32, #tpu.memory_space<vmem>> -> memref<128xi32, #tpu.memory_space<vmem>>
        %dma_wait3A_381 = arith.constant 0 : i32
        %dma_wait3A_382 = arith.constant 0 : i32
        %dma_wait3A_383 = tpu.memref_slice %arg10[%dma_wait3A_381, %dma_wait3A_382] : memref<50048x32xf32, #tpu.memory_space<vmem_shared>> -> memref<50048x32xf32, #tpu.memory_space<vmem_shared>>
        tpu.wait_indirect_dma semaphore(%arg19 : memref<!tpu.dma_semaphore, #tpu.memory_space<semaphore_mem>>) src(%dma_wait3A_377 : memref<128x32xf32, #tpu.memory_space<vmem>>) dst(%dma_wait3A_383 : memref<50048x32xf32, #tpu.memory_space<vmem_shared>>)
      } else {
      }
      %add3A_249 = arith.constant 4 : i32
      %add3A_250 = arith.addi %add3A_219, %add3A_249 : i32
      %sub3A_251 = arith.constant 1 : i32
      %sub3A_252 = arith.subi %add3A_250, %sub3A_251 : i32
      %lt3A_253 = arith.constant 400 : i32
      %lt3A_254 = arith.cmpi slt, %sub3A_252, %lt3A_253 : i32
      %convert_element_type3A_255 = arith.extui %lt3A_254 : i1 to i32
      %cond3A_256 = arith.constant 0 : i32
      %cond3A_257 = arith.cmpi ne, %convert_element_type3A_255, %cond3A_256 : i32
      scf.if %cond3A_257 {
        %add3A_370 = arith.constant 4 : i32
        %add3A_371 = arith.addi %add3A_219, %add3A_370 : i32
        %sub3A_372 = arith.constant 1 : i32
        %sub3A_373 = arith.subi %add3A_371, %sub3A_372 : i32
        %mul3A_374 = arith.constant 128 : i32
        %mul3A_375 = arith.muli %sub3A_373, %mul3A_374 : i32
        %add3A_376 = arith.addi %mul3A_14, %mul3A_375 : i32
        %dma_start3A_377 = arith.constant 0 : i32
        %dma_start3A_378 = arith.constant 0 : i32
        %dma_start3A_379 = tpu.memref_slice %arg7[%dma_start3A_377, %dma_start3A_378] : memref<4x128xi32, #tpu.memory_space<vmem>> -> memref<1x128xi32, #tpu.memory_space<vmem>>
        %dma_start3A_380 = tpu.memref_squeeze %dma_start3A_379 : memref<1x128xi32, #tpu.memory_space<vmem>> -> memref<128xi32, #tpu.memory_space<vmem>>
        %dma_start3A_381 = tpu.memref_slice %arg4[%add3A_376] : memref<819200xi32, #tpu.memory_space<hbm>> -> memref<128xi32, #tpu.memory_space<hbm>>
        %dma_start3A_382 = arith.constant 0 : i32
        %dma_start3A_383 = tpu.memref_slice %arg7[%dma_start3A_377, %dma_start3A_382] : memref<4x128xi32, #tpu.memory_space<vmem>> -> memref<1x128xi32, #tpu.memory_space<vmem>>
        %dma_start3A_384 = tpu.memref_squeeze %dma_start3A_383 : memref<1x128xi32, #tpu.memory_space<vmem>> -> memref<128xi32, #tpu.memory_space<vmem>>
        %dma_start3A_385 = tpu.memref_slice %arg4[%add3A_376] : memref<819200xi32, #tpu.memory_space<hbm>> -> memref<128xi32, #tpu.memory_space<hbm>>
        tpu.enqueue_dma source(%dma_start3A_385 : memref<128xi32, #tpu.memory_space<hbm>>) target(%dma_start3A_384 : memref<128xi32, #tpu.memory_space<vmem>>) target_semaphore(%arg11 : memref<!tpu.dma_semaphore, #tpu.memory_space<semaphore_mem>>)
        %mul3A_386 = arith.constant 128 : i32
        %mul3A_387 = arith.muli %sub3A_373, %mul3A_386 : i32
        %add3A_388 = arith.addi %mul3A_14, %mul3A_387 : i32
        %dma_start3A_389 = arith.constant 0 : i32
        %dma_start3A_390 = arith.constant 0 : i32
        %dma_start3A_391 = tpu.memref_slice %arg8[%dma_start3A_389, %dma_start3A_390] : memref<4x128xi32, #tpu.memory_space<vmem>> -> memref<1x128xi32, #tpu.memory_space<vmem>>
        %dma_start3A_392 = tpu.memref_squeeze %dma_start3A_391 : memref<1x128xi32, #tpu.memory_space<vmem>> -> memref<128xi32, #tpu.memory_space<vmem>>
        %dma_start3A_393 = tpu.memref_slice %arg5[%add3A_388] : memref<819200xi32, #tpu.memory_space<hbm>> -> memref<128xi32, #tpu.memory_space<hbm>>
        %dma_start3A_394 = arith.constant 0 : i32
        %dma_start3A_395 = tpu.memref_slice %arg8[%dma_start3A_389, %dma_start3A_394] : memref<4x128xi32, #tpu.memory_space<vmem>> -> memref<1x128xi32, #tpu.memory_space<vmem>>
        %dma_start3A_396 = tpu.memref_squeeze %dma_start3A_395 : memref<1x128xi32, #tpu.memory_space<vmem>> -> memref<128xi32, #tpu.memory_space<vmem>>
        %dma_start3A_397 = tpu.memref_slice %arg5[%add3A_388] : memref<819200xi32, #tpu.memory_space<hbm>> -> memref<128xi32, #tpu.memory_space<hbm>>
        tpu.enqueue_dma source(%dma_start3A_397 : memref<128xi32, #tpu.memory_space<hbm>>) target(%dma_start3A_396 : memref<128xi32, #tpu.memory_space<vmem>>) target_semaphore(%arg11 : memref<!tpu.dma_semaphore, #tpu.memory_space<semaphore_mem>>)
      } else {
      }
      %add3A_258 = arith.constant 4 : i32
      %add3A_259 = arith.addi %add3A_219, %add3A_258 : i32
      %sub3A_260 = arith.constant 2 : i32
      %sub3A_261 = arith.subi %add3A_259, %sub3A_260 : i32
      %lt3A_262 = arith.constant 400 : i32
      %lt3A_263 = arith.cmpi slt, %sub3A_261, %lt3A_262 : i32
      %convert_element_type3A_264 = arith.extui %lt3A_263 : i1 to i32
      %cond3A_265 = arith.constant 0 : i32
      %cond3A_266 = arith.cmpi ne, %convert_element_type3A_264, %cond3A_265 : i32
      scf.if %cond3A_266 {
        %add3A_370 = arith.constant 4 : i32
        %add3A_371 = arith.addi %add3A_219, %add3A_370 : i32
        %sub3A_372 = arith.constant 2 : i32
        %sub3A_373 = arith.subi %add3A_371, %sub3A_372 : i32
        %mul3A_374 = arith.constant 128 : i32
        %mul3A_375 = arith.muli %sub3A_373, %mul3A_374 : i32
        %add3A_376 = arith.addi %mul3A_14, %mul3A_375 : i32
        %dma_wait3A_377 = arith.constant 3 : i32
        %dma_wait3A_378 = arith.constant 0 : i32
        %dma_wait3A_379 = tpu.memref_slice %arg7[%dma_wait3A_377, %dma_wait3A_378] : memref<4x128xi32, #tpu.memory_space<vmem>> -> memref<1x128xi32, #tpu.memory_space<vmem>>
        %dma_wait3A_380 = tpu.memref_squeeze %dma_wait3A_379 : memref<1x128xi32, #tpu.memory_space<vmem>> -> memref<128xi32, #tpu.memory_space<vmem>>
        %dma_wait3A_381 = tpu.memref_slice %arg4[%add3A_376] : memref<819200xi32, #tpu.memory_space<hbm>> -> memref<128xi32, #tpu.memory_space<hbm>>
        %dma_wait3A_382 = arith.constant 0 : i32
        %dma_wait3A_383 = tpu.memref_slice %arg7[%dma_wait3A_377, %dma_wait3A_382] : memref<4x128xi32, #tpu.memory_space<vmem>> -> memref<1x128xi32, #tpu.memory_space<vmem>>
        %dma_wait3A_384 = tpu.memref_squeeze %dma_wait3A_383 : memref<1x128xi32, #tpu.memory_space<vmem>> -> memref<128xi32, #tpu.memory_space<vmem>>
        %dma_wait3A_385 = tpu.memref_slice %arg4[%add3A_376] : memref<819200xi32, #tpu.memory_space<hbm>> -> memref<128xi32, #tpu.memory_space<hbm>>
        tpu.wait_dma2 semaphore(%arg14 : memref<!tpu.dma_semaphore, #tpu.memory_space<semaphore_mem>>) src(%dma_wait3A_385 : memref<128xi32, #tpu.memory_space<hbm>>) dst(%dma_wait3A_384 : memref<128xi32, #tpu.memory_space<vmem>>)
        %mul3A_386 = arith.constant 128 : i32
        %mul3A_387 = arith.muli %sub3A_373, %mul3A_386 : i32
        %add3A_388 = arith.addi %mul3A_14, %mul3A_387 : i32
        %dma_wait3A_389 = arith.constant 3 : i32
        %dma_wait3A_390 = arith.constant 0 : i32
        %dma_wait3A_391 = tpu.memref_slice %arg8[%dma_wait3A_389, %dma_wait3A_390] : memref<4x128xi32, #tpu.memory_space<vmem>> -> memref<1x128xi32, #tpu.memory_space<vmem>>
        %dma_wait3A_392 = tpu.memref_squeeze %dma_wait3A_391 : memref<1x128xi32, #tpu.memory_space<vmem>> -> memref<128xi32, #tpu.memory_space<vmem>>
        %dma_wait3A_393 = tpu.memref_slice %arg5[%add3A_388] : memref<819200xi32, #tpu.memory_space<hbm>> -> memref<128xi32, #tpu.memory_space<hbm>>
        %dma_wait3A_394 = arith.constant 0 : i32
        %dma_wait3A_395 = tpu.memref_slice %arg8[%dma_wait3A_389, %dma_wait3A_394] : memref<4x128xi32, #tpu.memory_space<vmem>> -> memref<1x128xi32, #tpu.memory_space<vmem>>
        %dma_wait3A_396 = tpu.memref_squeeze %dma_wait3A_395 : memref<1x128xi32, #tpu.memory_space<vmem>> -> memref<128xi32, #tpu.memory_space<vmem>>
        %dma_wait3A_397 = tpu.memref_slice %arg5[%add3A_388] : memref<819200xi32, #tpu.memory_space<hbm>> -> memref<128xi32, #tpu.memory_space<hbm>>
        tpu.wait_dma2 semaphore(%arg14 : memref<!tpu.dma_semaphore, #tpu.memory_space<semaphore_mem>>) src(%dma_wait3A_397 : memref<128xi32, #tpu.memory_space<hbm>>) dst(%dma_wait3A_396 : memref<128xi32, #tpu.memory_space<vmem>>)
        %add3A_398 = arith.constant 4 : i32
        %add3A_399 = arith.addi %add3A_219, %add3A_398 : i32
        %sub3A_400 = arith.constant 2 : i32
        %sub3A_401 = arith.subi %add3A_399, %sub3A_400 : i32
        %eq3A_402 = arith.constant 0 : i32
        %eq3A_403 = arith.cmpi eq, %arg0, %eq3A_402 : i32
        %convert_element_type3A_404 = arith.extui %eq3A_403 : i1 to i32
        %cond3A_405 = arith.constant 0 : i32
        %cond3A_406 = arith.cmpi ne, %convert_element_type3A_404, %cond3A_405 : i32
        scf.if %cond3A_406 {
          %dma_start3A_412 = arith.constant 3 : i32
          %dma_start3A_413 = arith.constant 3 : i32
          %dma_start3A_414 = arith.constant 0 : i32
          %dma_start3A_415 = arith.constant 0 : i32
          %dma_start3A_416 = tpu.memref_slice %arg9[%dma_start3A_413, %dma_start3A_414, %dma_start3A_415] : memref<4x128x32xf32, #tpu.memory_space<vmem>> -> memref<1x128x32xf32, #tpu.memory_space<vmem>>
          %dma_start3A_417 = tpu.memref_squeeze %dma_start3A_416 : memref<1x128x32xf32, #tpu.memory_space<vmem>> -> memref<128x32xf32, #tpu.memory_space<vmem>>
          %dma_start3A_418 = arith.constant 0 : i32
          %dma_start3A_419 = tpu.memref_slice %arg7[%dma_start3A_412, %dma_start3A_418] : memref<4x128xi32, #tpu.memory_space<vmem>> -> memref<1x128xi32, #tpu.memory_space<vmem>>
          %dma_start3A_420 = tpu.memref_squeeze %dma_start3A_419 : memref<1x128xi32, #tpu.memory_space<vmem>> -> memref<128xi32, #tpu.memory_space<vmem>>
          %dma_start3A_421 = arith.constant 0 : i32
          %dma_start3A_422 = arith.constant 0 : i32
          %dma_start3A_423 = tpu.memref_slice %arg2[%dma_start3A_421, %dma_start3A_422] : memref<50000x32xf32, #tpu.memory_space<hbm>> -> memref<50000x32xf32, #tpu.memory_space<hbm>>
          tpu.enqueue_indirect_dma source(%dma_start3A_423 : memref<50000x32xf32, #tpu.memory_space<hbm>>) target(%dma_start3A_417 : memref<128x32xf32, #tpu.memory_space<vmem>>) offsets(%dma_start3A_420 : memref<128xi32, #tpu.memory_space<vmem>>) semaphore(%arg18 : memref<!tpu.dma_semaphore, #tpu.memory_space<semaphore_mem>>)
        } else {
        }
        %eq3A_407 = arith.constant 1 : i32
        %eq3A_408 = arith.cmpi eq, %arg0, %eq3A_407 : i32
        %convert_element_type3A_409 = arith.extui %eq3A_408 : i1 to i32
        %cond3A_410 = arith.constant 0 : i32
        %cond3A_411 = arith.cmpi ne, %convert_element_type3A_409, %cond3A_410 : i32
        scf.if %cond3A_411 {
          %dma_start3A_412 = arith.constant 3 : i32
          %dma_start3A_413 = arith.constant 3 : i32
          %dma_start3A_414 = arith.constant 0 : i32
          %dma_start3A_415 = arith.constant 0 : i32
          %dma_start3A_416 = tpu.memref_slice %arg9[%dma_start3A_413, %dma_start3A_414, %dma_start3A_415] : memref<4x128x32xf32, #tpu.memory_space<vmem>> -> memref<1x128x32xf32, #tpu.memory_space<vmem>>
          %dma_start3A_417 = tpu.memref_squeeze %dma_start3A_416 : memref<1x128x32xf32, #tpu.memory_space<vmem>> -> memref<128x32xf32, #tpu.memory_space<vmem>>
          %dma_start3A_418 = arith.constant 0 : i32
          %dma_start3A_419 = tpu.memref_slice %arg7[%dma_start3A_412, %dma_start3A_418] : memref<4x128xi32, #tpu.memory_space<vmem>> -> memref<1x128xi32, #tpu.memory_space<vmem>>
          %dma_start3A_420 = tpu.memref_squeeze %dma_start3A_419 : memref<1x128xi32, #tpu.memory_space<vmem>> -> memref<128xi32, #tpu.memory_space<vmem>>
          %dma_start3A_421 = arith.constant 0 : i32
          %dma_start3A_422 = arith.constant 0 : i32
          %dma_start3A_423 = tpu.memref_slice %arg3[%dma_start3A_421, %dma_start3A_422] : memref<50000x32xf32, #tpu.memory_space<hbm>> -> memref<50000x32xf32, #tpu.memory_space<hbm>>
          tpu.enqueue_indirect_dma source(%dma_start3A_423 : memref<50000x32xf32, #tpu.memory_space<hbm>>) target(%dma_start3A_417 : memref<128x32xf32, #tpu.memory_space<vmem>>) offsets(%dma_start3A_420 : memref<128xi32, #tpu.memory_space<vmem>>) semaphore(%arg18 : memref<!tpu.dma_semaphore, #tpu.memory_space<semaphore_mem>>)
        } else {
        }
      } else {
      }
      %mul3A_267 = arith.constant 4 : i32
      %mul3A_268 = arith.muli %scan3A_166, %mul3A_267 : i32
      %add3A_269 = arith.constant 2 : i32
      %add3A_270 = arith.addi %mul3A_268, %add3A_269 : i32
      %dma_wait3A_271 = arith.constant 2 : i32
      %dma_wait3A_272 = arith.constant 2 : i32
      %dma_wait3A_273 = arith.constant 0 : i32
      %dma_wait3A_274 = arith.constant 0 : i32
      %dma_wait3A_275 = tpu.memref_slice %arg9[%dma_wait3A_272, %dma_wait3A_273, %dma_wait3A_274] : memref<4x128x32xf32, #tpu.memory_space<vmem>> -> memref<1x128x32xf32, #tpu.memory_space<vmem>>
      %dma_wait3A_276 = tpu.memref_squeeze %dma_wait3A_275 : memref<1x128x32xf32, #tpu.memory_space<vmem>> -> memref<128x32xf32, #tpu.memory_space<vmem>>
      %dma_wait3A_277 = arith.constant 0 : i32
      %dma_wait3A_278 = tpu.memref_slice %arg7[%dma_wait3A_271, %dma_wait3A_277] : memref<4x128xi32, #tpu.memory_space<vmem>> -> memref<1x128xi32, #tpu.memory_space<vmem>>
      %dma_wait3A_279 = tpu.memref_squeeze %dma_wait3A_278 : memref<1x128xi32, #tpu.memory_space<vmem>> -> memref<128xi32, #tpu.memory_space<vmem>>
      %dma_wait3A_280 = arith.constant 0 : i32
      %dma_wait3A_281 = arith.constant 0 : i32
      %dma_wait3A_282 = tpu.memref_slice %arg2[%dma_wait3A_280, %dma_wait3A_281] : memref<50000x32xf32, #tpu.memory_space<hbm>> -> memref<50000x32xf32, #tpu.memory_space<hbm>>
      tpu.wait_indirect_dma semaphore(%arg17 : memref<!tpu.dma_semaphore, #tpu.memory_space<semaphore_mem>>) src(%dma_wait3A_282 : memref<50000x32xf32, #tpu.memory_space<hbm>>) dst(%dma_wait3A_276 : memref<128x32xf32, #tpu.memory_space<vmem>>)
      %dma_start3A_283 = arith.constant 2 : i32
      %dma_start3A_284 = arith.constant 2 : i32
      %dma_start3A_285 = arith.constant 0 : i32
      %dma_start3A_286 = arith.constant 0 : i32
      %dma_start3A_287 = tpu.memref_slice %arg9[%dma_start3A_283, %dma_start3A_285, %dma_start3A_286] : memref<4x128x32xf32, #tpu.memory_space<vmem>> -> memref<1x128x32xf32, #tpu.memory_space<vmem>>
      %dma_start3A_288 = tpu.memref_squeeze %dma_start3A_287 : memref<1x128x32xf32, #tpu.memory_space<vmem>> -> memref<128x32xf32, #tpu.memory_space<vmem>>
      %dma_start3A_289 = arith.constant 0 : i32
      %dma_start3A_290 = tpu.memref_slice %arg8[%dma_start3A_284, %dma_start3A_289] : memref<4x128xi32, #tpu.memory_space<vmem>> -> memref<1x128xi32, #tpu.memory_space<vmem>>
      %dma_start3A_291 = tpu.memref_squeeze %dma_start3A_290 : memref<1x128xi32, #tpu.memory_space<vmem>> -> memref<128xi32, #tpu.memory_space<vmem>>
      %dma_start3A_292 = arith.constant 0 : i32
      %dma_start3A_293 = arith.constant 0 : i32
      %dma_start3A_294 = tpu.memref_slice %arg10[%dma_start3A_292, %dma_start3A_293] : memref<50048x32xf32, #tpu.memory_space<vmem_shared>> -> memref<50048x32xf32, #tpu.memory_space<vmem_shared>>
      tpu.enqueue_indirect_dma source(%dma_start3A_288 : memref<128x32xf32, #tpu.memory_space<vmem>>) target(%dma_start3A_294 : memref<50048x32xf32, #tpu.memory_space<vmem_shared>>) offsets(%dma_start3A_291 : memref<128xi32, #tpu.memory_space<vmem>>) semaphore(%arg21 : memref<!tpu.dma_semaphore, #tpu.memory_space<semaphore_mem>>) {add = true}
      %ge3A_295 = arith.constant 1 : i32
      %ge3A_296 = arith.cmpi sge, %add3A_270, %ge3A_295 : i32
      %convert_element_type3A_297 = arith.extui %ge3A_296 : i1 to i32
      %cond3A_298 = arith.constant 0 : i32
      %cond3A_299 = arith.cmpi ne, %convert_element_type3A_297, %cond3A_298 : i32
      scf.if %cond3A_299 {
        %sub3A_370 = arith.constant 1 : i32
        %sub3A_371 = arith.subi %add3A_270, %sub3A_370 : i32
        %dma_wait3A_372 = arith.constant 1 : i32
        %dma_wait3A_373 = arith.constant 1 : i32
        %dma_wait3A_374 = arith.constant 0 : i32
        %dma_wait3A_375 = arith.constant 0 : i32
        %dma_wait3A_376 = tpu.memref_slice %arg9[%dma_wait3A_372, %dma_wait3A_374, %dma_wait3A_375] : memref<4x128x32xf32, #tpu.memory_space<vmem>> -> memref<1x128x32xf32, #tpu.memory_space<vmem>>
        %dma_wait3A_377 = tpu.memref_squeeze %dma_wait3A_376 : memref<1x128x32xf32, #tpu.memory_space<vmem>> -> memref<128x32xf32, #tpu.memory_space<vmem>>
        %dma_wait3A_378 = arith.constant 0 : i32
        %dma_wait3A_379 = tpu.memref_slice %arg8[%dma_wait3A_373, %dma_wait3A_378] : memref<4x128xi32, #tpu.memory_space<vmem>> -> memref<1x128xi32, #tpu.memory_space<vmem>>
        %dma_wait3A_380 = tpu.memref_squeeze %dma_wait3A_379 : memref<1x128xi32, #tpu.memory_space<vmem>> -> memref<128xi32, #tpu.memory_space<vmem>>
        %dma_wait3A_381 = arith.constant 0 : i32
        %dma_wait3A_382 = arith.constant 0 : i32
        %dma_wait3A_383 = tpu.memref_slice %arg10[%dma_wait3A_381, %dma_wait3A_382] : memref<50048x32xf32, #tpu.memory_space<vmem_shared>> -> memref<50048x32xf32, #tpu.memory_space<vmem_shared>>
        tpu.wait_indirect_dma semaphore(%arg20 : memref<!tpu.dma_semaphore, #tpu.memory_space<semaphore_mem>>) src(%dma_wait3A_377 : memref<128x32xf32, #tpu.memory_space<vmem>>) dst(%dma_wait3A_383 : memref<50048x32xf32, #tpu.memory_space<vmem_shared>>)
      } else {
      }
      %add3A_300 = arith.constant 4 : i32
      %add3A_301 = arith.addi %add3A_270, %add3A_300 : i32
      %sub3A_302 = arith.constant 1 : i32
      %sub3A_303 = arith.subi %add3A_301, %sub3A_302 : i32
      %lt3A_304 = arith.constant 400 : i32
      %lt3A_305 = arith.cmpi slt, %sub3A_303, %lt3A_304 : i32
      %convert_element_type3A_306 = arith.extui %lt3A_305 : i1 to i32
      %cond3A_307 = arith.constant 0 : i32
      %cond3A_308 = arith.cmpi ne, %convert_element_type3A_306, %cond3A_307 : i32
      scf.if %cond3A_308 {
        %add3A_370 = arith.constant 4 : i32
        %add3A_371 = arith.addi %add3A_270, %add3A_370 : i32
        %sub3A_372 = arith.constant 1 : i32
        %sub3A_373 = arith.subi %add3A_371, %sub3A_372 : i32
        %mul3A_374 = arith.constant 128 : i32
        %mul3A_375 = arith.muli %sub3A_373, %mul3A_374 : i32
        %add3A_376 = arith.addi %mul3A_14, %mul3A_375 : i32
        %dma_start3A_377 = arith.constant 1 : i32
        %dma_start3A_378 = arith.constant 0 : i32
        %dma_start3A_379 = tpu.memref_slice %arg7[%dma_start3A_377, %dma_start3A_378] : memref<4x128xi32, #tpu.memory_space<vmem>> -> memref<1x128xi32, #tpu.memory_space<vmem>>
        %dma_start3A_380 = tpu.memref_squeeze %dma_start3A_379 : memref<1x128xi32, #tpu.memory_space<vmem>> -> memref<128xi32, #tpu.memory_space<vmem>>
        %dma_start3A_381 = tpu.memref_slice %arg4[%add3A_376] : memref<819200xi32, #tpu.memory_space<hbm>> -> memref<128xi32, #tpu.memory_space<hbm>>
        %dma_start3A_382 = arith.constant 0 : i32
        %dma_start3A_383 = tpu.memref_slice %arg7[%dma_start3A_377, %dma_start3A_382] : memref<4x128xi32, #tpu.memory_space<vmem>> -> memref<1x128xi32, #tpu.memory_space<vmem>>
        %dma_start3A_384 = tpu.memref_squeeze %dma_start3A_383 : memref<1x128xi32, #tpu.memory_space<vmem>> -> memref<128xi32, #tpu.memory_space<vmem>>
        %dma_start3A_385 = tpu.memref_slice %arg4[%add3A_376] : memref<819200xi32, #tpu.memory_space<hbm>> -> memref<128xi32, #tpu.memory_space<hbm>>
        tpu.enqueue_dma source(%dma_start3A_385 : memref<128xi32, #tpu.memory_space<hbm>>) target(%dma_start3A_384 : memref<128xi32, #tpu.memory_space<vmem>>) target_semaphore(%arg12 : memref<!tpu.dma_semaphore, #tpu.memory_space<semaphore_mem>>)
        %mul3A_386 = arith.constant 128 : i32
        %mul3A_387 = arith.muli %sub3A_373, %mul3A_386 : i32
        %add3A_388 = arith.addi %mul3A_14, %mul3A_387 : i32
        %dma_start3A_389 = arith.constant 1 : i32
        %dma_start3A_390 = arith.constant 0 : i32
        %dma_start3A_391 = tpu.memref_slice %arg8[%dma_start3A_389, %dma_start3A_390] : memref<4x128xi32, #tpu.memory_space<vmem>> -> memref<1x128xi32, #tpu.memory_space<vmem>>
        %dma_start3A_392 = tpu.memref_squeeze %dma_start3A_391 : memref<1x128xi32, #tpu.memory_space<vmem>> -> memref<128xi32, #tpu.memory_space<vmem>>
        %dma_start3A_393 = tpu.memref_slice %arg5[%add3A_388] : memref<819200xi32, #tpu.memory_space<hbm>> -> memref<128xi32, #tpu.memory_space<hbm>>
        %dma_start3A_394 = arith.constant 0 : i32
        %dma_start3A_395 = tpu.memref_slice %arg8[%dma_start3A_389, %dma_start3A_394] : memref<4x128xi32, #tpu.memory_space<vmem>> -> memref<1x128xi32, #tpu.memory_space<vmem>>
        %dma_start3A_396 = tpu.memref_squeeze %dma_start3A_395 : memref<1x128xi32, #tpu.memory_space<vmem>> -> memref<128xi32, #tpu.memory_space<vmem>>
        %dma_start3A_397 = tpu.memref_slice %arg5[%add3A_388] : memref<819200xi32, #tpu.memory_space<hbm>> -> memref<128xi32, #tpu.memory_space<hbm>>
        tpu.enqueue_dma source(%dma_start3A_397 : memref<128xi32, #tpu.memory_space<hbm>>) target(%dma_start3A_396 : memref<128xi32, #tpu.memory_space<vmem>>) target_semaphore(%arg12 : memref<!tpu.dma_semaphore, #tpu.memory_space<semaphore_mem>>)
      } else {
      }
      %add3A_309 = arith.constant 4 : i32
      %add3A_310 = arith.addi %add3A_270, %add3A_309 : i32
      %sub3A_311 = arith.constant 2 : i32
      %sub3A_312 = arith.subi %add3A_310, %sub3A_311 : i32
      %lt3A_313 = arith.constant 400 : i32
      %lt3A_314 = arith.cmpi slt, %sub3A_312, %lt3A_313 : i32
      %convert_element_type3A_315 = arith.extui %lt3A_314 : i1 to i32
      %cond3A_316 = arith.constant 0 : i32
      %cond3A_317 = arith.cmpi ne, %convert_element_type3A_315, %cond3A_316 : i32
      scf.if %cond3A_317 {
        %add3A_370 = arith.constant 4 : i32
        %add3A_371 = arith.addi %add3A_270, %add3A_370 : i32
        %sub3A_372 = arith.constant 2 : i32
        %sub3A_373 = arith.subi %add3A_371, %sub3A_372 : i32
        %mul3A_374 = arith.constant 128 : i32
        %mul3A_375 = arith.muli %sub3A_373, %mul3A_374 : i32
        %add3A_376 = arith.addi %mul3A_14, %mul3A_375 : i32
        %dma_wait3A_377 = arith.constant 0 : i32
        %dma_wait3A_378 = arith.constant 0 : i32
        %dma_wait3A_379 = tpu.memref_slice %arg7[%dma_wait3A_377, %dma_wait3A_378] : memref<4x128xi32, #tpu.memory_space<vmem>> -> memref<1x128xi32, #tpu.memory_space<vmem>>
        %dma_wait3A_380 = tpu.memref_squeeze %dma_wait3A_379 : memref<1x128xi32, #tpu.memory_space<vmem>> -> memref<128xi32, #tpu.memory_space<vmem>>
        %dma_wait3A_381 = tpu.memref_slice %arg4[%add3A_376] : memref<819200xi32, #tpu.memory_space<hbm>> -> memref<128xi32, #tpu.memory_space<hbm>>
        %dma_wait3A_382 = arith.constant 0 : i32
        %dma_wait3A_383 = tpu.memref_slice %arg7[%dma_wait3A_377, %dma_wait3A_382] : memref<4x128xi32, #tpu.memory_space<vmem>> -> memref<1x128xi32, #tpu.memory_space<vmem>>
        %dma_wait3A_384 = tpu.memref_squeeze %dma_wait3A_383 : memref<1x128xi32, #tpu.memory_space<vmem>> -> memref<128xi32, #tpu.memory_space<vmem>>
        %dma_wait3A_385 = tpu.memref_slice %arg4[%add3A_376] : memref<819200xi32, #tpu.memory_space<hbm>> -> memref<128xi32, #tpu.memory_space<hbm>>
        tpu.wait_dma2 semaphore(%arg11 : memref<!tpu.dma_semaphore, #tpu.memory_space<semaphore_mem>>) src(%dma_wait3A_385 : memref<128xi32, #tpu.memory_space<hbm>>) dst(%dma_wait3A_384 : memref<128xi32, #tpu.memory_space<vmem>>)
        %mul3A_386 = arith.constant 128 : i32
        %mul3A_387 = arith.muli %sub3A_373, %mul3A_386 : i32
        %add3A_388 = arith.addi %mul3A_14, %mul3A_387 : i32
        %dma_wait3A_389 = arith.constant 0 : i32
        %dma_wait3A_390 = arith.constant 0 : i32
        %dma_wait3A_391 = tpu.memref_slice %arg8[%dma_wait3A_389, %dma_wait3A_390] : memref<4x128xi32, #tpu.memory_space<vmem>> -> memref<1x128xi32, #tpu.memory_space<vmem>>
        %dma_wait3A_392 = tpu.memref_squeeze %dma_wait3A_391 : memref<1x128xi32, #tpu.memory_space<vmem>> -> memref<128xi32, #tpu.memory_space<vmem>>
        %dma_wait3A_393 = tpu.memref_slice %arg5[%add3A_388] : memref<819200xi32, #tpu.memory_space<hbm>> -> memref<128xi32, #tpu.memory_space<hbm>>
        %dma_wait3A_394 = arith.constant 0 : i32
        %dma_wait3A_395 = tpu.memref_slice %arg8[%dma_wait3A_389, %dma_wait3A_394] : memref<4x128xi32, #tpu.memory_space<vmem>> -> memref<1x128xi32, #tpu.memory_space<vmem>>
        %dma_wait3A_396 = tpu.memref_squeeze %dma_wait3A_395 : memref<1x128xi32, #tpu.memory_space<vmem>> -> memref<128xi32, #tpu.memory_space<vmem>>
        %dma_wait3A_397 = tpu.memref_slice %arg5[%add3A_388] : memref<819200xi32, #tpu.memory_space<hbm>> -> memref<128xi32, #tpu.memory_space<hbm>>
        tpu.wait_dma2 semaphore(%arg11 : memref<!tpu.dma_semaphore, #tpu.memory_space<semaphore_mem>>) src(%dma_wait3A_397 : memref<128xi32, #tpu.memory_space<hbm>>) dst(%dma_wait3A_396 : memref<128xi32, #tpu.memory_space<vmem>>)
        %add3A_398 = arith.constant 4 : i32
        %add3A_399 = arith.addi %add3A_270, %add3A_398 : i32
        %sub3A_400 = arith.constant 2 : i32
        %sub3A_401 = arith.subi %add3A_399, %sub3A_400 : i32
        %eq3A_402 = arith.constant 0 : i32
        %eq3A_403 = arith.cmpi eq, %arg0, %eq3A_402 : i32
        %convert_element_type3A_404 = arith.extui %eq3A_403 : i1 to i32
        %cond3A_405 = arith.constant 0 : i32
        %cond3A_406 = arith.cmpi ne, %convert_element_type3A_404, %cond3A_405 : i32
        scf.if %cond3A_406 {
          %dma_start3A_412 = arith.constant 0 : i32
          %dma_start3A_413 = arith.constant 0 : i32
          %dma_start3A_414 = arith.constant 0 : i32
          %dma_start3A_415 = arith.constant 0 : i32
          %dma_start3A_416 = tpu.memref_slice %arg9[%dma_start3A_413, %dma_start3A_414, %dma_start3A_415] : memref<4x128x32xf32, #tpu.memory_space<vmem>> -> memref<1x128x32xf32, #tpu.memory_space<vmem>>
          %dma_start3A_417 = tpu.memref_squeeze %dma_start3A_416 : memref<1x128x32xf32, #tpu.memory_space<vmem>> -> memref<128x32xf32, #tpu.memory_space<vmem>>
          %dma_start3A_418 = arith.constant 0 : i32
          %dma_start3A_419 = tpu.memref_slice %arg7[%dma_start3A_412, %dma_start3A_418] : memref<4x128xi32, #tpu.memory_space<vmem>> -> memref<1x128xi32, #tpu.memory_space<vmem>>
          %dma_start3A_420 = tpu.memref_squeeze %dma_start3A_419 : memref<1x128xi32, #tpu.memory_space<vmem>> -> memref<128xi32, #tpu.memory_space<vmem>>
          %dma_start3A_421 = arith.constant 0 : i32
          %dma_start3A_422 = arith.constant 0 : i32
          %dma_start3A_423 = tpu.memref_slice %arg2[%dma_start3A_421, %dma_start3A_422] : memref<50000x32xf32, #tpu.memory_space<hbm>> -> memref<50000x32xf32, #tpu.memory_space<hbm>>
          tpu.enqueue_indirect_dma source(%dma_start3A_423 : memref<50000x32xf32, #tpu.memory_space<hbm>>) target(%dma_start3A_417 : memref<128x32xf32, #tpu.memory_space<vmem>>) offsets(%dma_start3A_420 : memref<128xi32, #tpu.memory_space<vmem>>) semaphore(%arg15 : memref<!tpu.dma_semaphore, #tpu.memory_space<semaphore_mem>>)
        } else {
        }
        %eq3A_407 = arith.constant 1 : i32
        %eq3A_408 = arith.cmpi eq, %arg0, %eq3A_407 : i32
        %convert_element_type3A_409 = arith.extui %eq3A_408 : i1 to i32
        %cond3A_410 = arith.constant 0 : i32
        %cond3A_411 = arith.cmpi ne, %convert_element_type3A_409, %cond3A_410 : i32
        scf.if %cond3A_411 {
          %dma_start3A_412 = arith.constant 0 : i32
          %dma_start3A_413 = arith.constant 0 : i32
          %dma_start3A_414 = arith.constant 0 : i32
          %dma_start3A_415 = arith.constant 0 : i32
          %dma_start3A_416 = tpu.memref_slice %arg9[%dma_start3A_413, %dma_start3A_414, %dma_start3A_415] : memref<4x128x32xf32, #tpu.memory_space<vmem>> -> memref<1x128x32xf32, #tpu.memory_space<vmem>>
          %dma_start3A_417 = tpu.memref_squeeze %dma_start3A_416 : memref<1x128x32xf32, #tpu.memory_space<vmem>> -> memref<128x32xf32, #tpu.memory_space<vmem>>
          %dma_start3A_418 = arith.constant 0 : i32
          %dma_start3A_419 = tpu.memref_slice %arg7[%dma_start3A_412, %dma_start3A_418] : memref<4x128xi32, #tpu.memory_space<vmem>> -> memref<1x128xi32, #tpu.memory_space<vmem>>
          %dma_start3A_420 = tpu.memref_squeeze %dma_start3A_419 : memref<1x128xi32, #tpu.memory_space<vmem>> -> memref<128xi32, #tpu.memory_space<vmem>>
          %dma_start3A_421 = arith.constant 0 : i32
          %dma_start3A_422 = arith.constant 0 : i32
          %dma_start3A_423 = tpu.memref_slice %arg3[%dma_start3A_421, %dma_start3A_422] : memref<50000x32xf32, #tpu.memory_space<hbm>> -> memref<50000x32xf32, #tpu.memory_space<hbm>>
          tpu.enqueue_indirect_dma source(%dma_start3A_423 : memref<50000x32xf32, #tpu.memory_space<hbm>>) target(%dma_start3A_417 : memref<128x32xf32, #tpu.memory_space<vmem>>) offsets(%dma_start3A_420 : memref<128xi32, #tpu.memory_space<vmem>>) semaphore(%arg15 : memref<!tpu.dma_semaphore, #tpu.memory_space<semaphore_mem>>)
        } else {
        }
      } else {
      }
      %mul3A_318 = arith.constant 4 : i32
      %mul3A_319 = arith.muli %scan3A_166, %mul3A_318 : i32
      %add3A_320 = arith.constant 3 : i32
      %add3A_321 = arith.addi %mul3A_319, %add3A_320 : i32
      %dma_wait3A_322 = arith.constant 3 : i32
      %dma_wait3A_323 = arith.constant 3 : i32
      %dma_wait3A_324 = arith.constant 0 : i32
      %dma_wait3A_325 = arith.constant 0 : i32
      %dma_wait3A_326 = tpu.memref_slice %arg9[%dma_wait3A_323, %dma_wait3A_324, %dma_wait3A_325] : memref<4x128x32xf32, #tpu.memory_space<vmem>> -> memref<1x128x32xf32, #tpu.memory_space<vmem>>
      %dma_wait3A_327 = tpu.memref_squeeze %dma_wait3A_326 : memref<1x128x32xf32, #tpu.memory_space<vmem>> -> memref<128x32xf32, #tpu.memory_space<vmem>>
      %dma_wait3A_328 = arith.constant 0 : i32
      %dma_wait3A_329 = tpu.memref_slice %arg7[%dma_wait3A_322, %dma_wait3A_328] : memref<4x128xi32, #tpu.memory_space<vmem>> -> memref<1x128xi32, #tpu.memory_space<vmem>>
      %dma_wait3A_330 = tpu.memref_squeeze %dma_wait3A_329 : memref<1x128xi32, #tpu.memory_space<vmem>> -> memref<128xi32, #tpu.memory_space<vmem>>
      %dma_wait3A_331 = arith.constant 0 : i32
      %dma_wait3A_332 = arith.constant 0 : i32
      %dma_wait3A_333 = tpu.memref_slice %arg2[%dma_wait3A_331, %dma_wait3A_332] : memref<50000x32xf32, #tpu.memory_space<hbm>> -> memref<50000x32xf32, #tpu.memory_space<hbm>>
      tpu.wait_indirect_dma semaphore(%arg18 : memref<!tpu.dma_semaphore, #tpu.memory_space<semaphore_mem>>) src(%dma_wait3A_333 : memref<50000x32xf32, #tpu.memory_space<hbm>>) dst(%dma_wait3A_327 : memref<128x32xf32, #tpu.memory_space<vmem>>)
      %dma_start3A_334 = arith.constant 3 : i32
      %dma_start3A_335 = arith.constant 3 : i32
      %dma_start3A_336 = arith.constant 0 : i32
      %dma_start3A_337 = arith.constant 0 : i32
      %dma_start3A_338 = tpu.memref_slice %arg9[%dma_start3A_334, %dma_start3A_336, %dma_start3A_337] : memref<4x128x32xf32, #tpu.memory_space<vmem>> -> memref<1x128x32xf32, #tpu.memory_space<vmem>>
      %dma_start3A_339 = tpu.memref_squeeze %dma_start3A_338 : memref<1x128x32xf32, #tpu.memory_space<vmem>> -> memref<128x32xf32, #tpu.memory_space<vmem>>
      %dma_start3A_340 = arith.constant 0 : i32
      %dma_start3A_341 = tpu.memref_slice %arg8[%dma_start3A_335, %dma_start3A_340] : memref<4x128xi32, #tpu.memory_space<vmem>> -> memref<1x128xi32, #tpu.memory_space<vmem>>
      %dma_start3A_342 = tpu.memref_squeeze %dma_start3A_341 : memref<1x128xi32, #tpu.memory_space<vmem>> -> memref<128xi32, #tpu.memory_space<vmem>>
      %dma_start3A_343 = arith.constant 0 : i32
      %dma_start3A_344 = arith.constant 0 : i32
      %dma_start3A_345 = tpu.memref_slice %arg10[%dma_start3A_343, %dma_start3A_344] : memref<50048x32xf32, #tpu.memory_space<vmem_shared>> -> memref<50048x32xf32, #tpu.memory_space<vmem_shared>>
      tpu.enqueue_indirect_dma source(%dma_start3A_339 : memref<128x32xf32, #tpu.memory_space<vmem>>) target(%dma_start3A_345 : memref<50048x32xf32, #tpu.memory_space<vmem_shared>>) offsets(%dma_start3A_342 : memref<128xi32, #tpu.memory_space<vmem>>) semaphore(%arg22 : memref<!tpu.dma_semaphore, #tpu.memory_space<semaphore_mem>>) {add = true}
      %ge3A_346 = arith.constant 1 : i32
      %ge3A_347 = arith.cmpi sge, %add3A_321, %ge3A_346 : i32
      %convert_element_type3A_348 = arith.extui %ge3A_347 : i1 to i32
      %cond3A_349 = arith.constant 0 : i32
      %cond3A_350 = arith.cmpi ne, %convert_element_type3A_348, %cond3A_349 : i32
      scf.if %cond3A_350 {
        %sub3A_370 = arith.constant 1 : i32
        %sub3A_371 = arith.subi %add3A_321, %sub3A_370 : i32
        %dma_wait3A_372 = arith.constant 2 : i32
        %dma_wait3A_373 = arith.constant 2 : i32
        %dma_wait3A_374 = arith.constant 0 : i32
        %dma_wait3A_375 = arith.constant 0 : i32
        %dma_wait3A_376 = tpu.memref_slice %arg9[%dma_wait3A_372, %dma_wait3A_374, %dma_wait3A_375] : memref<4x128x32xf32, #tpu.memory_space<vmem>> -> memref<1x128x32xf32, #tpu.memory_space<vmem>>
        %dma_wait3A_377 = tpu.memref_squeeze %dma_wait3A_376 : memref<1x128x32xf32, #tpu.memory_space<vmem>> -> memref<128x32xf32, #tpu.memory_space<vmem>>
        %dma_wait3A_378 = arith.constant 0 : i32
        %dma_wait3A_379 = tpu.memref_slice %arg8[%dma_wait3A_373, %dma_wait3A_378] : memref<4x128xi32, #tpu.memory_space<vmem>> -> memref<1x128xi32, #tpu.memory_space<vmem>>
        %dma_wait3A_380 = tpu.memref_squeeze %dma_wait3A_379 : memref<1x128xi32, #tpu.memory_space<vmem>> -> memref<128xi32, #tpu.memory_space<vmem>>
        %dma_wait3A_381 = arith.constant 0 : i32
        %dma_wait3A_382 = arith.constant 0 : i32
        %dma_wait3A_383 = tpu.memref_slice %arg10[%dma_wait3A_381, %dma_wait3A_382] : memref<50048x32xf32, #tpu.memory_space<vmem_shared>> -> memref<50048x32xf32, #tpu.memory_space<vmem_shared>>
        tpu.wait_indirect_dma semaphore(%arg21 : memref<!tpu.dma_semaphore, #tpu.memory_space<semaphore_mem>>) src(%dma_wait3A_377 : memref<128x32xf32, #tpu.memory_space<vmem>>) dst(%dma_wait3A_383 : memref<50048x32xf32, #tpu.memory_space<vmem_shared>>)
      } else {
      }
      %add3A_351 = arith.constant 4 : i32
      %add3A_352 = arith.addi %add3A_321, %add3A_351 : i32
      %sub3A_353 = arith.constant 1 : i32
      %sub3A_354 = arith.subi %add3A_352, %sub3A_353 : i32
      %lt3A_355 = arith.constant 400 : i32
      %lt3A_356 = arith.cmpi slt, %sub3A_354, %lt3A_355 : i32
      %convert_element_type3A_357 = arith.extui %lt3A_356 : i1 to i32
      %cond3A_358 = arith.constant 0 : i32
      %cond3A_359 = arith.cmpi ne, %convert_element_type3A_357, %cond3A_358 : i32
      scf.if %cond3A_359 {
        %add3A_370 = arith.constant 4 : i32
        %add3A_371 = arith.addi %add3A_321, %add3A_370 : i32
        %sub3A_372 = arith.constant 1 : i32
        %sub3A_373 = arith.subi %add3A_371, %sub3A_372 : i32
        %mul3A_374 = arith.constant 128 : i32
        %mul3A_375 = arith.muli %sub3A_373, %mul3A_374 : i32
        %add3A_376 = arith.addi %mul3A_14, %mul3A_375 : i32
        %dma_start3A_377 = arith.constant 2 : i32
        %dma_start3A_378 = arith.constant 0 : i32
        %dma_start3A_379 = tpu.memref_slice %arg7[%dma_start3A_377, %dma_start3A_378] : memref<4x128xi32, #tpu.memory_space<vmem>> -> memref<1x128xi32, #tpu.memory_space<vmem>>
        %dma_start3A_380 = tpu.memref_squeeze %dma_start3A_379 : memref<1x128xi32, #tpu.memory_space<vmem>> -> memref<128xi32, #tpu.memory_space<vmem>>
        %dma_start3A_381 = tpu.memref_slice %arg4[%add3A_376] : memref<819200xi32, #tpu.memory_space<hbm>> -> memref<128xi32, #tpu.memory_space<hbm>>
        %dma_start3A_382 = arith.constant 0 : i32
        %dma_start3A_383 = tpu.memref_slice %arg7[%dma_start3A_377, %dma_start3A_382] : memref<4x128xi32, #tpu.memory_space<vmem>> -> memref<1x128xi32, #tpu.memory_space<vmem>>
        %dma_start3A_384 = tpu.memref_squeeze %dma_start3A_383 : memref<1x128xi32, #tpu.memory_space<vmem>> -> memref<128xi32, #tpu.memory_space<vmem>>
        %dma_start3A_385 = tpu.memref_slice %arg4[%add3A_376] : memref<819200xi32, #tpu.memory_space<hbm>> -> memref<128xi32, #tpu.memory_space<hbm>>
        tpu.enqueue_dma source(%dma_start3A_385 : memref<128xi32, #tpu.memory_space<hbm>>) target(%dma_start3A_384 : memref<128xi32, #tpu.memory_space<vmem>>) target_semaphore(%arg13 : memref<!tpu.dma_semaphore, #tpu.memory_space<semaphore_mem>>)
        %mul3A_386 = arith.constant 128 : i32
        %mul3A_387 = arith.muli %sub3A_373, %mul3A_386 : i32
        %add3A_388 = arith.addi %mul3A_14, %mul3A_387 : i32
        %dma_start3A_389 = arith.constant 2 : i32
        %dma_start3A_390 = arith.constant 0 : i32
        %dma_start3A_391 = tpu.memref_slice %arg8[%dma_start3A_389, %dma_start3A_390] : memref<4x128xi32, #tpu.memory_space<vmem>> -> memref<1x128xi32, #tpu.memory_space<vmem>>
        %dma_start3A_392 = tpu.memref_squeeze %dma_start3A_391 : memref<1x128xi32, #tpu.memory_space<vmem>> -> memref<128xi32, #tpu.memory_space<vmem>>
        %dma_start3A_393 = tpu.memref_slice %arg5[%add3A_388] : memref<819200xi32, #tpu.memory_space<hbm>> -> memref<128xi32, #tpu.memory_space<hbm>>
        %dma_start3A_394 = arith.constant 0 : i32
        %dma_start3A_395 = tpu.memref_slice %arg8[%dma_start3A_389, %dma_start3A_394] : memref<4x128xi32, #tpu.memory_space<vmem>> -> memref<1x128xi32, #tpu.memory_space<vmem>>
        %dma_start3A_396 = tpu.memref_squeeze %dma_start3A_395 : memref<1x128xi32, #tpu.memory_space<vmem>> -> memref<128xi32, #tpu.memory_space<vmem>>
        %dma_start3A_397 = tpu.memref_slice %arg5[%add3A_388] : memref<819200xi32, #tpu.memory_space<hbm>> -> memref<128xi32, #tpu.memory_space<hbm>>
        tpu.enqueue_dma source(%dma_start3A_397 : memref<128xi32, #tpu.memory_space<hbm>>) target(%dma_start3A_396 : memref<128xi32, #tpu.memory_space<vmem>>) target_semaphore(%arg13 : memref<!tpu.dma_semaphore, #tpu.memory_space<semaphore_mem>>)
      } else {
      }
      %add3A_360 = arith.constant 4 : i32
      %add3A_361 = arith.addi %add3A_321, %add3A_360 : i32
      %sub3A_362 = arith.constant 2 : i32
      %sub3A_363 = arith.subi %add3A_361, %sub3A_362 : i32
      %lt3A_364 = arith.constant 400 : i32
      %lt3A_365 = arith.cmpi slt, %sub3A_363, %lt3A_364 : i32
      %convert_element_type3A_366 = arith.extui %lt3A_365 : i1 to i32
      %cond3A_367 = arith.constant 0 : i32
      %cond3A_368 = arith.cmpi ne, %convert_element_type3A_366, %cond3A_367 : i32
      scf.if %cond3A_368 {
        %add3A_370 = arith.constant 4 : i32
        %add3A_371 = arith.addi %add3A_321, %add3A_370 : i32
        %sub3A_372 = arith.constant 2 : i32
        %sub3A_373 = arith.subi %add3A_371, %sub3A_372 : i32
        %mul3A_374 = arith.constant 128 : i32
        %mul3A_375 = arith.muli %sub3A_373, %mul3A_374 : i32
        %add3A_376 = arith.addi %mul3A_14, %mul3A_375 : i32
        %dma_wait3A_377 = arith.constant 1 : i32
        %dma_wait3A_378 = arith.constant 0 : i32
        %dma_wait3A_379 = tpu.memref_slice %arg7[%dma_wait3A_377, %dma_wait3A_378] : memref<4x128xi32, #tpu.memory_space<vmem>> -> memref<1x128xi32, #tpu.memory_space<vmem>>
        %dma_wait3A_380 = tpu.memref_squeeze %dma_wait3A_379 : memref<1x128xi32, #tpu.memory_space<vmem>> -> memref<128xi32, #tpu.memory_space<vmem>>
        %dma_wait3A_381 = tpu.memref_slice %arg4[%add3A_376] : memref<819200xi32, #tpu.memory_space<hbm>> -> memref<128xi32, #tpu.memory_space<hbm>>
        %dma_wait3A_382 = arith.constant 0 : i32
        %dma_wait3A_383 = tpu.memref_slice %arg7[%dma_wait3A_377, %dma_wait3A_382] : memref<4x128xi32, #tpu.memory_space<vmem>> -> memref<1x128xi32, #tpu.memory_space<vmem>>
        %dma_wait3A_384 = tpu.memref_squeeze %dma_wait3A_383 : memref<1x128xi32, #tpu.memory_space<vmem>> -> memref<128xi32, #tpu.memory_space<vmem>>
        %dma_wait3A_385 = tpu.memref_slice %arg4[%add3A_376] : memref<819200xi32, #tpu.memory_space<hbm>> -> memref<128xi32, #tpu.memory_space<hbm>>
        tpu.wait_dma2 semaphore(%arg12 : memref<!tpu.dma_semaphore, #tpu.memory_space<semaphore_mem>>) src(%dma_wait3A_385 : memref<128xi32, #tpu.memory_space<hbm>>) dst(%dma_wait3A_384 : memref<128xi32, #tpu.memory_space<vmem>>)
        %mul3A_386 = arith.constant 128 : i32
        %mul3A_387 = arith.muli %sub3A_373, %mul3A_386 : i32
        %add3A_388 = arith.addi %mul3A_14, %mul3A_387 : i32
        %dma_wait3A_389 = arith.constant 1 : i32
        %dma_wait3A_390 = arith.constant 0 : i32
        %dma_wait3A_391 = tpu.memref_slice %arg8[%dma_wait3A_389, %dma_wait3A_390] : memref<4x128xi32, #tpu.memory_space<vmem>> -> memref<1x128xi32, #tpu.memory_space<vmem>>
        %dma_wait3A_392 = tpu.memref_squeeze %dma_wait3A_391 : memref<1x128xi32, #tpu.memory_space<vmem>> -> memref<128xi32, #tpu.memory_space<vmem>>
        %dma_wait3A_393 = tpu.memref_slice %arg5[%add3A_388] : memref<819200xi32, #tpu.memory_space<hbm>> -> memref<128xi32, #tpu.memory_space<hbm>>
        %dma_wait3A_394 = arith.constant 0 : i32
        %dma_wait3A_395 = tpu.memref_slice %arg8[%dma_wait3A_389, %dma_wait3A_394] : memref<4x128xi32, #tpu.memory_space<vmem>> -> memref<1x128xi32, #tpu.memory_space<vmem>>
        %dma_wait3A_396 = tpu.memref_squeeze %dma_wait3A_395 : memref<1x128xi32, #tpu.memory_space<vmem>> -> memref<128xi32, #tpu.memory_space<vmem>>
        %dma_wait3A_397 = tpu.memref_slice %arg5[%add3A_388] : memref<819200xi32, #tpu.memory_space<hbm>> -> memref<128xi32, #tpu.memory_space<hbm>>
        tpu.wait_dma2 semaphore(%arg12 : memref<!tpu.dma_semaphore, #tpu.memory_space<semaphore_mem>>) src(%dma_wait3A_397 : memref<128xi32, #tpu.memory_space<hbm>>) dst(%dma_wait3A_396 : memref<128xi32, #tpu.memory_space<vmem>>)
        %add3A_398 = arith.constant 4 : i32
        %add3A_399 = arith.addi %add3A_321, %add3A_398 : i32
        %sub3A_400 = arith.constant 2 : i32
        %sub3A_401 = arith.subi %add3A_399, %sub3A_400 : i32
        %eq3A_402 = arith.constant 0 : i32
        %eq3A_403 = arith.cmpi eq, %arg0, %eq3A_402 : i32
        %convert_element_type3A_404 = arith.extui %eq3A_403 : i1 to i32
        %cond3A_405 = arith.constant 0 : i32
        %cond3A_406 = arith.cmpi ne, %convert_element_type3A_404, %cond3A_405 : i32
        scf.if %cond3A_406 {
          %dma_start3A_412 = arith.constant 1 : i32
          %dma_start3A_413 = arith.constant 1 : i32
          %dma_start3A_414 = arith.constant 0 : i32
          %dma_start3A_415 = arith.constant 0 : i32
          %dma_start3A_416 = tpu.memref_slice %arg9[%dma_start3A_413, %dma_start3A_414, %dma_start3A_415] : memref<4x128x32xf32, #tpu.memory_space<vmem>> -> memref<1x128x32xf32, #tpu.memory_space<vmem>>
          %dma_start3A_417 = tpu.memref_squeeze %dma_start3A_416 : memref<1x128x32xf32, #tpu.memory_space<vmem>> -> memref<128x32xf32, #tpu.memory_space<vmem>>
          %dma_start3A_418 = arith.constant 0 : i32
          %dma_start3A_419 = tpu.memref_slice %arg7[%dma_start3A_412, %dma_start3A_418] : memref<4x128xi32, #tpu.memory_space<vmem>> -> memref<1x128xi32, #tpu.memory_space<vmem>>
          %dma_start3A_420 = tpu.memref_squeeze %dma_start3A_419 : memref<1x128xi32, #tpu.memory_space<vmem>> -> memref<128xi32, #tpu.memory_space<vmem>>
          %dma_start3A_421 = arith.constant 0 : i32
          %dma_start3A_422 = arith.constant 0 : i32
          %dma_start3A_423 = tpu.memref_slice %arg2[%dma_start3A_421, %dma_start3A_422] : memref<50000x32xf32, #tpu.memory_space<hbm>> -> memref<50000x32xf32, #tpu.memory_space<hbm>>
          tpu.enqueue_indirect_dma source(%dma_start3A_423 : memref<50000x32xf32, #tpu.memory_space<hbm>>) target(%dma_start3A_417 : memref<128x32xf32, #tpu.memory_space<vmem>>) offsets(%dma_start3A_420 : memref<128xi32, #tpu.memory_space<vmem>>) semaphore(%arg16 : memref<!tpu.dma_semaphore, #tpu.memory_space<semaphore_mem>>)
        } else {
        }
        %eq3A_407 = arith.constant 1 : i32
        %eq3A_408 = arith.cmpi eq, %arg0, %eq3A_407 : i32
        %convert_element_type3A_409 = arith.extui %eq3A_408 : i1 to i32
        %cond3A_410 = arith.constant 0 : i32
        %cond3A_411 = arith.cmpi ne, %convert_element_type3A_409, %cond3A_410 : i32
        scf.if %cond3A_411 {
          %dma_start3A_412 = arith.constant 1 : i32
          %dma_start3A_413 = arith.constant 1 : i32
          %dma_start3A_414 = arith.constant 0 : i32
          %dma_start3A_415 = arith.constant 0 : i32
          %dma_start3A_416 = tpu.memref_slice %arg9[%dma_start3A_413, %dma_start3A_414, %dma_start3A_415] : memref<4x128x32xf32, #tpu.memory_space<vmem>> -> memref<1x128x32xf32, #tpu.memory_space<vmem>>
          %dma_start3A_417 = tpu.memref_squeeze %dma_start3A_416 : memref<1x128x32xf32, #tpu.memory_space<vmem>> -> memref<128x32xf32, #tpu.memory_space<vmem>>
          %dma_start3A_418 = arith.constant 0 : i32
          %dma_start3A_419 = tpu.memref_slice %arg7[%dma_start3A_412, %dma_start3A_418] : memref<4x128xi32, #tpu.memory_space<vmem>> -> memref<1x128xi32, #tpu.memory_space<vmem>>
          %dma_start3A_420 = tpu.memref_squeeze %dma_start3A_419 : memref<1x128xi32, #tpu.memory_space<vmem>> -> memref<128xi32, #tpu.memory_space<vmem>>
          %dma_start3A_421 = arith.constant 0 : i32
          %dma_start3A_422 = arith.constant 0 : i32
          %dma_start3A_423 = tpu.memref_slice %arg3[%dma_start3A_421, %dma_start3A_422] : memref<50000x32xf32, #tpu.memory_space<hbm>> -> memref<50000x32xf32, #tpu.memory_space<hbm>>
          tpu.enqueue_indirect_dma source(%dma_start3A_423 : memref<50000x32xf32, #tpu.memory_space<hbm>>) target(%dma_start3A_417 : memref<128x32xf32, #tpu.memory_space<vmem>>) offsets(%dma_start3A_420 : memref<128xi32, #tpu.memory_space<vmem>>) semaphore(%arg16 : memref<!tpu.dma_semaphore, #tpu.memory_space<semaphore_mem>>)
        } else {
        }
      } else {
      }
      %scan3A_369 = arith.constant 0 : i32
      scf.yield %scan3A_369 : i32
    }
    %scan3A_145 = arith.constant 100 : i32
    %dma_wait3A_146 = arith.constant 3 : i32
    %dma_wait3A_147 = arith.constant 3 : i32
    %dma_wait3A_148 = arith.constant 0 : i32
    %dma_wait3A_149 = arith.constant 0 : i32
    %dma_wait3A_150 = tpu.memref_slice %arg9[%dma_wait3A_146, %dma_wait3A_148, %dma_wait3A_149] : memref<4x128x32xf32, #tpu.memory_space<vmem>> -> memref<1x128x32xf32, #tpu.memory_space<vmem>>
    %dma_wait3A_151 = tpu.memref_squeeze %dma_wait3A_150 : memref<1x128x32xf32, #tpu.memory_space<vmem>> -> memref<128x32xf32, #tpu.memory_space<vmem>>
    %dma_wait3A_152 = arith.constant 0 : i32
    %dma_wait3A_153 = tpu.memref_slice %arg8[%dma_wait3A_147, %dma_wait3A_152] : memref<4x128xi32, #tpu.memory_space<vmem>> -> memref<1x128xi32, #tpu.memory_space<vmem>>
    %dma_wait3A_154 = tpu.memref_squeeze %dma_wait3A_153 : memref<1x128xi32, #tpu.memory_space<vmem>> -> memref<128xi32, #tpu.memory_space<vmem>>
    %dma_wait3A_155 = arith.constant 0 : i32
    %dma_wait3A_156 = arith.constant 0 : i32
    %dma_wait3A_157 = tpu.memref_slice %arg10[%dma_wait3A_155, %dma_wait3A_156] : memref<50048x32xf32, #tpu.memory_space<vmem_shared>> -> memref<50048x32xf32, #tpu.memory_space<vmem_shared>>
    tpu.wait_indirect_dma semaphore(%arg22 : memref<!tpu.dma_semaphore, #tpu.memory_space<semaphore_mem>>) src(%dma_wait3A_151 : memref<128x32xf32, #tpu.memory_space<vmem>>) dst(%dma_wait3A_157 : memref<50048x32xf32, #tpu.memory_space<vmem_shared>>)
    %barrier3A_158 = arith.constant 0 : index
    tpu.barrier barrier_id(%barrier3A_158)
    %scan3A_159 = arith.constant 0 : i32
    %scan3A_160 = arith.constant 0 : i32
    %scan3A_161 = arith.constant 25 : i32
    %scan3A_162 = arith.addi %scan3A_160, %scan3A_161 : i32
    %scan3A_163 = arith.constant 1 : i32
    %scan3A_164 = scf.for %scan3A_166 = %scan3A_160 to %scan3A_162 step %scan3A_163 iter_args(%scan3A_167 = %scan3A_159) -> (i32)  : i32 {
      %mul3A_168 = arith.constant 16 : i32
      %mul3A_169 = arith.muli %scan3A_166, %mul3A_168 : i32
      %add3A_170 = arith.addi %arg1, %mul3A_169 : i32
      %lt3A = arith.constant 391 : i32
      %lt3A_171 = arith.cmpi slt, %add3A_170, %lt3A : i32
      %convert_element_type3A_172 = arith.extui %lt3A_171 : i1 to i32
      %cond3A_173 = arith.constant 0 : i32
      %cond3A_174 = arith.cmpi ne, %convert_element_type3A_172, %cond3A_173 : i32
      scf.if %cond3A_174 {
        %mul3A_176 = arith.constant 128 : i32
        %mul3A_177 = arith.muli %add3A_170, %mul3A_176 : i32
        %mul3A_178 = arith.constant 128 : i32
        %mul3A_179 = arith.muli %add3A_170, %mul3A_178 : i32
        "tpu.region"() ({
          %run_scoped3A = tpu.sem_alloc : memref<!tpu.dma_semaphore, #tpu.memory_space<semaphore_mem>>
          %dma_start3A_180 = arith.constant 0 : i32
          %dma_start3A_181 = tpu.memref_slice %arg6[%arg0, %mul3A_179, %dma_start3A_180] : memref<2x50048x32xf32, #tpu.memory_space<hbm>> -> memref<1x128x32xf32, #tpu.memory_space<hbm>>
          %dma_start3A_182 = tpu.memref_squeeze %dma_start3A_181 : memref<1x128x32xf32, #tpu.memory_space<hbm>> -> memref<128x32xf32, #tpu.memory_space<hbm>>
          %dma_start3A_183 = arith.constant 0 : i32
          %dma_start3A_184 = tpu.memref_slice %arg10[%mul3A_177, %dma_start3A_183] : memref<50048x32xf32, #tpu.memory_space<vmem_shared>> -> memref<128x32xf32, #tpu.memory_space<vmem_shared>>
          tpu.enqueue_dma source(%dma_start3A_184 : memref<128x32xf32, #tpu.memory_space<vmem_shared>>) target(%dma_start3A_182 : memref<128x32xf32, #tpu.memory_space<hbm>>) target_semaphore(%run_scoped3A : memref<!tpu.dma_semaphore, #tpu.memory_space<semaphore_mem>>)
          %dma_wait3A_185 = arith.constant 0 : i32
          %dma_wait3A_186 = tpu.memref_slice %arg6[%arg0, %mul3A_179, %dma_wait3A_185] : memref<2x50048x32xf32, #tpu.memory_space<hbm>> -> memref<1x128x32xf32, #tpu.memory_space<hbm>>
          %dma_wait3A_187 = tpu.memref_squeeze %dma_wait3A_186 : memref<1x128x32xf32, #tpu.memory_space<hbm>> -> memref<128x32xf32, #tpu.memory_space<hbm>>
          %dma_wait3A_188 = arith.constant 0 : i32
          %dma_wait3A_189 = tpu.memref_slice %arg10[%mul3A_177, %dma_wait3A_188] : memref<50048x32xf32, #tpu.memory_space<vmem_shared>> -> memref<128x32xf32, #tpu.memory_space<vmem_shared>>
          tpu.wait_dma2 semaphore(%run_scoped3A : memref<!tpu.dma_semaphore, #tpu.memory_space<semaphore_mem>>) src(%dma_wait3A_189 : memref<128x32xf32, #tpu.memory_space<vmem_shared>>) dst(%dma_wait3A_187 : memref<128x32xf32, #tpu.memory_space<hbm>>)
          tpu.yield
        }) : () -> ()
      } else {
      }
      %scan3A_175 = arith.constant 0 : i32
      scf.yield %scan3A_175 : i32
    }
    %scan3A_165 = arith.constant 25 : i32
    return
  }
}

module attributes {stable_mosaic.version = 14 : i64} {
  func.func @_tc_body(%arg0: i32, %arg1: memref<3128x256xf32, #tpu.memory_space<vmem>>, %arg2: memref<2x3128x128xf32, #tpu.memory_space<vmem>>, %arg3: memref<2x3128x32xf32, #tpu.memory_space<vmem>>, %arg4: memref<256x256xf32, #tpu.memory_space<vmem>>, %arg5: memref<256x256xf32, #tpu.memory_space<vmem>>, %arg6: memref<32x256xf32, #tpu.memory_space<vmem>>, %arg7: memref<2x256xf32, #tpu.memory_space<vmem>>, %arg8: memref<3128x256xf32, #tpu.memory_space<vmem>>) attributes {dimension_semantics = [#tpu.dimension_semantics<arbitrary>], iteration_bounds = array<i64: 4>, scalar_prefetch = 0 : i64, scratch_operands = 0 : i64, tpu.core_type = #tpu.core_type<tc>, window_params = [{transform_indices = @transform_0, window_bounds = array<i64: 3128, 256>}, {transform_indices = @transform_1, window_bounds = array<i64: 2, 3128, 128>}, {transform_indices = @transform_2, window_bounds = array<i64: 2, 3128, 32>}, {pipeline_mode = #tpu.pipeline_mode<synchronous>, transform_indices = @transform_3, window_bounds = array<i64: 256, 256>}, {pipeline_mode = #tpu.pipeline_mode<synchronous>, transform_indices = @transform_4, window_bounds = array<i64: 256, 256>}, {pipeline_mode = #tpu.pipeline_mode<synchronous>, transform_indices = @transform_5, window_bounds = array<i64: 32, 256>}, {pipeline_mode = #tpu.pipeline_mode<synchronous>, transform_indices = @transform_6, window_bounds = array<i64: 2, 256>}, {transform_indices = @transform_7, window_bounds = array<i64: 3128, 256>}]} {
    %get3A = arith.constant 0 : index
    %get3A_0 = arith.constant 0 : index
    %get3A_1 = arith.constant 0 : index
    %get3A_2 = vector.load %arg3[%get3A, %get3A_0, %get3A_1] : memref<2x3128x32xf32, #tpu.memory_space<vmem>>, vector<1x3128x32xf32>
    %get3A_3 = vector.shape_cast %get3A_2 : vector<1x3128x32xf32> to vector<3128x32xf32>
    %get3A_4 = arith.constant 1 : index
    %get3A_5 = arith.constant 0 : index
    %get3A_6 = arith.constant 0 : index
    %get3A_7 = vector.load %arg3[%get3A_4, %get3A_5, %get3A_6] : memref<2x3128x32xf32, #tpu.memory_space<vmem>>, vector<1x3128x32xf32>
    %get3A_8 = vector.shape_cast %get3A_7 : vector<1x3128x32xf32> to vector<3128x32xf32>
    %add3A = arith.addf %get3A_3, %get3A_8 : vector<3128x32xf32>
    %max3A = arith.constant 1.000000e+00 : f32
    %max3A_9 = vector.broadcast %max3A : f32 to vector<3128x32xf32>
    %max3A_10 = arith.maximumf %add3A, %max3A_9 : vector<3128x32xf32>
    %div3A = arith.constant 1.000000e+00 : f32
    %div3A_11 = vector.broadcast %div3A : f32 to vector<3128x32xf32>
    %div3A_12 = arith.divf %div3A_11, %max3A_10 : vector<3128x32xf32>
    %get3A_13 = arith.constant 0 : index
    %get3A_14 = arith.constant 0 : index
    %get3A_15 = vector.load %arg6[%get3A_13, %get3A_14] : memref<32x256xf32, #tpu.memory_space<vmem>>, vector<32x256xf32>
    %dot_general3A = arith.constant dense<0.000000e+00> : vector<3128x256xf32>
    %dot_general3A_16 = tpu.matmul %div3A_12, %get3A_15, %dot_general3A {dimension_numbers = #tpu.dot_dimension_numbers<[1], [0], [0], [1], [0, 0, 1, 1], [], []>, transpose_lhs_hint = false} : vector<3128x32xf32>, vector<32x256xf32>, vector<3128x256xf32> -> vector<3128x256xf32>
    %gt3A = arith.constant 0.000000e+00 : f32
    %gt3A_17 = vector.broadcast %gt3A : f32 to vector<3128x32xf32>
    %gt3A_18 = arith.cmpf ogt, %add3A, %gt3A_17 : vector<3128x32xf32>
    %convert_element_type3A = arith.extui %gt3A_18 : vector<3128x32xi1> to vector<3128x32xi32>
    %convert_element_type3A_19 = arith.sitofp %convert_element_type3A : vector<3128x32xi32> to vector<3128x32xf32>
    %get3A_20 = arith.constant 0 : index
    %get3A_21 = arith.constant 0 : index
    %get3A_22 = vector.load %arg6[%get3A_20, %get3A_21] : memref<32x256xf32, #tpu.memory_space<vmem>>, vector<32x256xf32>
    %dot_general3A_23 = arith.constant dense<0.000000e+00> : vector<3128x256xf32>
    %dot_general3A_24 = tpu.matmul %convert_element_type3A_19, %get3A_22, %dot_general3A_23 {dimension_numbers = #tpu.dot_dimension_numbers<[1], [0], [0], [1], [0, 0, 1, 1], [], []>, transpose_lhs_hint = false} : vector<3128x32xf32>, vector<32x256xf32>, vector<3128x256xf32> -> vector<3128x256xf32>
    %get3A_25 = arith.constant 0 : index
    %get3A_26 = arith.constant 0 : index
    %get3A_27 = arith.constant 0 : index
    %get3A_28 = vector.load %arg2[%get3A_25, %get3A_26, %get3A_27] : memref<2x3128x128xf32, #tpu.memory_space<vmem>>, vector<1x3128x128xf32>
    %get3A_29 = vector.shape_cast %get3A_28 : vector<1x3128x128xf32> to vector<3128x128xf32>
    %get3A_30 = arith.constant 1 : index
    %get3A_31 = arith.constant 0 : index
    %get3A_32 = arith.constant 0 : index
    %get3A_33 = vector.load %arg2[%get3A_30, %get3A_31, %get3A_32] : memref<2x3128x128xf32, #tpu.memory_space<vmem>>, vector<1x3128x128xf32>
    %get3A_34 = vector.shape_cast %get3A_33 : vector<1x3128x128xf32> to vector<3128x128xf32>
    %concatenate3A = tpu.concatenate %get3A_29, %get3A_34 in 1 : vector<3128x128xf32>, vector<3128x128xf32> -> vector<3128x256xf32>
    %get3A_35 = arith.constant 0 : index
    %get3A_36 = arith.constant 0 : index
    %get3A_37 = vector.load %arg5[%get3A_35, %get3A_36] : memref<256x256xf32, #tpu.memory_space<vmem>>, vector<256x256xf32>
    %dot_general3A_38 = arith.constant dense<0.000000e+00> : vector<3128x256xf32>
    %dot_general3A_39 = tpu.matmul %concatenate3A, %get3A_37, %dot_general3A_38 {dimension_numbers = #tpu.dot_dimension_numbers<[1], [0], [0], [1], [0, 0, 1, 1], [], []>, transpose_lhs_hint = false} : vector<3128x256xf32>, vector<256x256xf32>, vector<3128x256xf32> -> vector<3128x256xf32>
    %mul3A = arith.mulf %dot_general3A_39, %dot_general3A_16 : vector<3128x256xf32>
    %get3A_40 = arith.constant 0 : index
    %get3A_41 = arith.constant 0 : index
    %get3A_42 = vector.load %arg1[%get3A_40, %get3A_41] : memref<3128x256xf32, #tpu.memory_space<vmem>>, vector<3128x256xf32>
    %get3A_43 = arith.constant 0 : index
    %get3A_44 = arith.constant 0 : index
    %get3A_45 = vector.load %arg4[%get3A_43, %get3A_44] : memref<256x256xf32, #tpu.memory_space<vmem>>, vector<256x256xf32>
    %dot_general3A_46 = arith.constant dense<0.000000e+00> : vector<3128x256xf32>
    %dot_general3A_47 = tpu.matmul %get3A_42, %get3A_45, %dot_general3A_46 {dimension_numbers = #tpu.dot_dimension_numbers<[1], [0], [0], [1], [0, 0, 1, 1], [], []>, transpose_lhs_hint = false} : vector<3128x256xf32>, vector<256x256xf32>, vector<3128x256xf32> -> vector<3128x256xf32>
    %get3A_48 = arith.constant 0 : index
    %get3A_49 = arith.constant 0 : index
    %get3A_50 = vector.load %arg7[%get3A_48, %get3A_49] : memref<2x256xf32, #tpu.memory_space<vmem>>, vector<1x256xf32>
    %add3A_51 = vector.broadcast %get3A_50 : vector<1x256xf32> to vector<3128x256xf32>
    %add3A_52 = arith.addf %dot_general3A_47, %add3A_51 : vector<3128x256xf32>
    %get3A_53 = arith.constant 1 : index
    %get3A_54 = arith.constant 0 : index
    %get3A_55 = vector.load %arg7[%get3A_53, %get3A_54] : memref<2x256xf32, #tpu.memory_space<vmem>>, vector<1x256xf32>
    %add3A_56 = vector.broadcast %get3A_55 : vector<1x256xf32> to vector<3128x256xf32>
    %add3A_57 = arith.addf %mul3A, %add3A_56 : vector<3128x256xf32>
    %mul3A_58 = arith.mulf %dot_general3A_24, %add3A_57 : vector<3128x256xf32>
    %add3A_59 = arith.addf %add3A_52, %mul3A_58 : vector<3128x256xf32>
    %swap3A = arith.constant 0 : index
    %swap3A_60 = arith.constant 0 : index
    %swap3A_61 = vector.load %arg8[%swap3A, %swap3A_60] : memref<3128x256xf32, #tpu.memory_space<vmem>>, vector<3128x256xf32>
    tpu.vector_store %arg8[%swap3A, %swap3A_60], %add3A_59 {strides = array<i32>} : memref<3128x256xf32, #tpu.memory_space<vmem>>, vector<3128x256xf32>,
    return
  }
  func.func @transform_0(%arg0: i32) -> (i32, i32) {
    %c0_i32 = arith.constant 0 : i32
    %c0_i32_0 = arith.constant 0 : i32
    return %arg0, %c0_i32 : i32, i32
  }
  func.func @transform_1(%arg0: i32) -> (i32, i32, i32) {
    %c0_i32 = arith.constant 0 : i32
    %c0_i32_0 = arith.constant 0 : i32
    %c0_i32_1 = arith.constant 0 : i32
    return %c0_i32, %arg0, %c0_i32_0 : i32, i32, i32
  }
  func.func @transform_2(%arg0: i32) -> (i32, i32, i32) {
    %c0_i32 = arith.constant 0 : i32
    %c0_i32_0 = arith.constant 0 : i32
    %c0_i32_1 = arith.constant 0 : i32
    return %c0_i32, %arg0, %c0_i32_0 : i32, i32, i32
  }
  func.func @transform_3(%arg0: i32) -> (i32, i32) {
    %c0_i32 = arith.constant 0 : i32
    %c0_i32_0 = arith.constant 0 : i32
    %c0_i32_1 = arith.constant 0 : i32
    return %c0_i32, %c0_i32_0 : i32, i32
  }
  func.func @transform_4(%arg0: i32) -> (i32, i32) {
    %c0_i32 = arith.constant 0 : i32
    %c0_i32_0 = arith.constant 0 : i32
    %c0_i32_1 = arith.constant 0 : i32
    return %c0_i32, %c0_i32_0 : i32, i32
  }
  func.func @transform_5(%arg0: i32) -> (i32, i32) {
    %c0_i32 = arith.constant 0 : i32
    %c0_i32_0 = arith.constant 0 : i32
    %c0_i32_1 = arith.constant 0 : i32
    return %c0_i32, %c0_i32_0 : i32, i32
  }
  func.func @transform_6(%arg0: i32) -> (i32, i32) {
    %c0_i32 = arith.constant 0 : i32
    %c0_i32_0 = arith.constant 0 : i32
    %c0_i32_1 = arith.constant 0 : i32
    return %c0_i32, %c0_i32_0 : i32, i32
  }
  func.func @transform_7(%arg0: i32) -> (i32, i32) {
    %c0_i32 = arith.constant 0 : i32
    %c0_i32_0 = arith.constant 0 : i32
    return %arg0, %c0_i32 : i32, i32
  }
}

</mosaic_0001>

<sc_bundles>
// kernel: kernel.5.cloned.1.call-start
scs
__scs_entry_jumppad:
0x0: {  	(pc) =	sbr.rel $0x88, $3  }
0x1: {  	(tag) =	ssettag $0x0;
	lr =	simm.s32 $0x1  }
0x2: {  	[smem:$0x3F9A] =	sst lr;
	_ =	strace $0xD0000000  }
0x3: {  	_ = 	snop  }
0x4: {  	_ = 	snop  }
0x5: {  	_ = 	snop  }
0x6: {  	_ = 	snop  }
0x7: {  	_ = 	snop  }
__scs_overlays_trampoline_lowered:
0x8: {  	[smem:$0x3FA9] =	sst s0  }
0x9: {  	[smem:$0x3FAA] =	sst s1  }
0xa: {  	[smem:$0x3FAB] =	sst s2  }
0xb: {  	[smem:$0x3FAC] =	sst s3  }
0xc: {  	[smem:$0x3FAD] =	sst s4  }
0xd: {  	[smem:$0x3FAE] =	sst s5  }
0xe: {  	[smem:$0x3FAF] =	sst s6  }
0xf: {  	[smem:$0x3FB0] =	sst s7  }
0x10: {  	[smem:$0x3FB1] =	sst s8  }
0x11: {  	[smem:$0x3FB2] =	sst s9;
	s0 =	simm.s32 @!p0 $0x0  }
0x12: {  	s1 =	sld [smem:$0x3F98];
	s0 =	simm.s32 @p0 $0x1  }
0x13: {  	[smem:$0x3FB3] =	sst s0;
	s0 =	simm.s32 @!p1 $0x0  }
0x14: {  	s2 =	sld [smem:$0x3F97];
	s0 =	simm.s32 @p1 $0x1  }
0x15: {  	[smem:$0x3FB4] =	sst s0;
	s0 =	simm.s32 @!p2 $0x0  }
0x16: {  	s3 =	sld [smem:$0x3FDB];
	s0 =	simm.s32 @p2 $0x1  }
0x17: {  	s4 =	simm.s32 $0x1BF5;
	[smem:$0x3FB6] =	sst s0  }
0x18: {  	s0 =	sld [smem:$0x3F99];
	_ =	swait.ge [sflag:s4], $0x0  }
0x19: {  	s7 =	sld [smem:$0x3F9A]  }
0x1a: {  	s8 =	sadd.s32 $0xFFFFE003, lr  }
0x1b: {  	s9 =	sadd.s32 $0xFFFFFEF7, lr;
	s5 =	simm.s32 $0xFFFFFFFF;
	p2 =	slt.u32 s8, $0xFFFFF086  }
0x1c: {  	p1 =	slt.u32 s9, $0xF7A;
	s5 =	simm.s32 @!p2 $0x0  }
0x1d: {  	s5 =	simm.s32 @p1 $0x1;
	p0 =	seq.s32 s7, s2  }
0x1e: {  	s7 =	smul.u32 @!p0 $0xF7A, s2;
	p2 =	seq.s32 @!p0 s5, $0x0  }
0x1f: {  	s9 =	smul.u32 $0xF7A, s1;
	s8 =	simm.s32 @!p0 $0x1BF5;
	p2 =	por !p2, p0  }
0x20: {  	[sflag:s8] =	ssyncset.s32 @!p0 $0xFFFFF086;
	s6 =	sadd.s32 @!p0 s3, s7;
	s7 =	simm.s32 @!p0 $0x108  }
0x21: {  	s3 =	sadd.s32 s3, s9;
	s6 =	sadd.s32 @!p0 $0x88, s6;
	s7 =	simm.s32 @p2 $0x1082  }
0x22: {  	[simem:s7], [sflag:s8] =	dma.local @!p0 [hbm:s6], $0xF7A  }
0x23: {  	s9 =	sor.u32 $0xD0000000, s2;
	s6 =	simm.s32 $0x108;
	_ =	swait.ge @!p0 [sflag:s8], $0x0  }
0x24: {  	s3 =	sadd.s32 $0x88, s3;
	s6 =	simm.s32 @!p1 $0x1082;
	[sflag:s4] =	ssyncset.s32 $0xFFFFF086  }
0x25: {  	[simem:s6], [sflag:s4] =	dma.local [hbm:s3], $0xF7A  }
0x26: {  	[smem:$0x3F9A] =	sst s1;
	(tag) =	ssettag s2;
	_ =	strace s9  }
0x27: {  	s1 =	sld [smem:$0x3FAA]  }
0x28: {  	s2 =	sld [smem:$0x3FAB]  }
0x29: {  	s4 =	sld [smem:$0x3FAD]  }
0x2a: {  	p0 =	seq.s32 s5, $0x0;
	s5 =	sld [smem:$0x3FAE]  }
0x2b: {  	s6 =	sld [smem:$0x3FAF]  }
0x2c: {  	s7 =	sld [smem:$0x3FB0]  }
0x2d: {  	s3 =	simm.s32 $0x108;
	s8 =	sld [smem:$0x3FB1]  }
0x2e: {  	s3 =	simm.s32 @!p0 $0x1082;
	s9 =	sld [smem:$0x3FB2]  }
0x2f: {  	lr =	sadd.s32 s0, s3;
	s0 =	sld [smem:$0x3FA9]  }
0x30: {  	s3 =	sld [smem:$0x3FAC]  }
0x31: {  	[smem:$0x3FB5] =	sst s10  }
0x32: {  	s10 =	sld [smem:$0x3FB3];
	_ =	sdelay $0x3  }
0x33: {  	p0 =	seq.s32 s10, $0x1;
	s10 =	sld [smem:$0x3FB5];
	_ =	sdelay $0x3  }
0x34: {  	[smem:$0x3FB5] =	sst s10  }
0x35: {  	s10 =	sld [smem:$0x3FB4];
	_ =	sdelay $0x3  }
0x36: {  	p1 =	seq.s32 s10, $0x1;
	s10 =	sld [smem:$0x3FB5];
	_ =	sdelay $0x3  }
0x37: {  	[smem:$0x3FB5] =	sst s10  }
0x38: {  	s10 =	sld [smem:$0x3FB6]  }
0x39: {  	_ = 	snop;
	(pc) =	sbr.ind lr, $3  }
0x3a: {  	_ = 	snop  }
0x3b: {  	_ = 	snop  }
0x3c: {  	p2 =	seq.s32 s10, $0x1;
	s10 =	sld [smem:$0x3FB5]  }
0x3d: {  	_ =	shalt  }
0x3e: {  	_ =	shalt  }
0x3f: {  	_ =	shalt  }
0x40: {  	_ =	shalt  }
0x41: {  	_ =	shalt  }
0x42: {  	_ =	shalt  }
0x43: {  	_ =	shalt  }
0x44: {  	_ =	shalt  }
0x45: {  	_ =	shalt  }
0x46: {  	_ =	shalt  }
0x47: {  	_ =	shalt  }
0x48: {  	_ =	shalt  }
0x49: {  	_ =	shalt  }
0x4a: {  	_ =	shalt  }
0x4b: {  	_ =	shalt  }
0x4c: {  	_ =	shalt  }
0x4d: {  	_ =	shalt  }
0x4e: {  	_ =	shalt  }
0x4f: {  	_ =	shalt  }
0x50: {  	_ =	shalt  }
0x51: {  	_ =	shalt  }
0x52: {  	_ =	shalt  }
0x53: {  	_ =	shalt  }
0x54: {  	_ =	shalt  }
0x55: {  	_ =	shalt  }
0x56: {  	_ =	shalt  }
0x57: {  	_ =	shalt  }
0x58: {  	_ =	shalt  }
0x59: {  	_ =	shalt  }
0x5a: {  	_ =	shalt  }
0x5b: {  	_ =	shalt  }
0x5c: {  	_ =	shalt  }
0x5d: {  	_ =	shalt  }
0x5e: {  	_ =	shalt  }
0x5f: {  	_ =	shalt  }
0x60: {  	_ =	shalt  }
0x61: {  	_ =	shalt  }
0x62: {  	_ =	shalt  }
0x63: {  	_ =	shalt  }
0x64: {  	_ =	shalt  }
0x65: {  	_ =	shalt  }
0x66: {  	_ =	shalt  }
0x67: {  	_ =	shalt  }
0x68: {  	_ =	shalt  }
0x69: {  	_ =	shalt  }
0x6a: {  	_ =	shalt  }
0x6b: {  	_ =	shalt  }
0x6c: {  	_ =	shalt  }
0x6d: {  	_ =	shalt  }
0x6e: {  	_ =	shalt  }
0x6f: {  	_ =	shalt  }
0x70: {  	_ =	shalt  }
0x71: {  	_ =	shalt  }
0x72: {  	_ =	shalt  }
0x73: {  	_ =	shalt  }
0x74: {  	_ =	shalt  }
0x75: {  	_ =	shalt  }
0x76: {  	_ =	shalt  }
0x77: {  	_ =	shalt  }
0x78: {  	_ =	shalt  }
0x79: {  	_ =	shalt  }
0x7a: {  	_ =	shalt  }
0x7b: {  	_ =	shalt  }
0x7c: {  	_ =	shalt  }
0x7d: {  	_ =	shalt  }
0x7e: {  	_ =	shalt  }
0x7f: {  	_ =	shalt  }
0x80: {  	_ =	shalt  }
0x81: {  	_ =	shalt  }
0x82: {  	_ =	shalt  }
0x83: {  	_ =	shalt  }
0x84: {  	_ =	shalt  }
0x85: {  	_ =	shalt  }
0x86: {  	_ =	shalt  }
0x87: {  	_ =	shalt  }
.Lfunc_end0:
.L_simem_size_0:
called_computation_lowered:
.L_overlay_start_0:
0x88: {  	s2 =	sld [smem:$0x3FD9]  }
0x89: {  	s3 =	sld [smem:$0x3FFE];
	_ =	sdelay $0x1  }
0x8a: {  	s1 =	srdreg.scid  }
0x8b: {  	s0 =	sand.u32 $0x1, s1  }
0x8c: {  	s16 =	sshll.u32 s0, $0xA;
	s2 =	sadd.s32 s3, s2  }
0x8d: {  	s2 =	sadd.s32 s2, s16  }
0x8e: {  	[smem:$0x3FC1] =	sst s2  }
0x8f: {  	_ = 	snop  }
0x90: {  	(tm) =	ssettm $0x1  }
0x91: {  	s17 =	sld [smem:$0x3FFB];
	_ =	sdelay $0x3  }
0x92: {  	_ =	strace s17  }
0x93: {  	s2 =	sld [smem:$0x3FFC];
	_ =	sdelay $0x3  }
0x94: {  	_ =	strace s2  }
0x95: {  	s2 =	sld [smem:$0x3FFD];
	_ =	sdelay $0x3  }
0x96: {  	_ =	strace s2  }
0x97: {  	_ =	strace $0x8FFFFFFF  }
0x98: {  	s18 =	sld [smem:$0x3FDB];
	_ =	sdelay $0x1  }
0x99: {  	s19 =	simm.s32 $_scs_section_size  }
0x9a: {  	s4 =	simm.s32 $_size__tile_overlayer_lowered;
	s5 =	simm.s32 $_tile_overlayer_lowered  }
0x9b: {  	s22 =	simm.s32 $0x1BFF;
	s21 =	sshll.u32 s5, $0x1;
	s2 =	sadd.s32 s19, s18  }
0x9c: {  	s6 =	simm.s32 $0x0;
	s20 =	sshll.u32 s4, $0x1;
	s4 =	sadd.s32 s21, s2  }
0x9d: {  	[timem:s6], [sflag:s22] =	dma.local [hbm:s4], s20  }
0x9e: {  	_ =	swait.ge [sflag:s22], s20  }
0x9f: {  	s3 =	ssub.s32 $0x0, s20;
	[sflag:s22] =	ssyncset.done $0x0  }
0xa0: {  	[sflag:s22] =	ssyncadd.s32 s3;
	_ =	sdelay $0x1  }
0xa1: {  	s23 =	simm.s32 $0x1B8B  }
0xa2: {  	_ =	swait.ge [sflag:s23], $0x1  }
0xa3: {  	[sflag:s23] =	ssyncset.done $0x0  }
0xa4: {  	s25 =	simm.s32 $0x1B8E;
	s24 =	sld [smem:$0x3FFE];
	[sflag:s23] =	ssyncadd.s32 $0xFFFFFFFF  }
0xa5: {  	s26 =	simm.s32 $execute0_lowered;
	[smem:$0x3FD2] =	sst s25  }
0xa6: {  	s4 =	sshll.u32 s26, $0x1;
	_ =	strace $0x80000046;
	[dreg:$0x1] =	wrdreg $0xFFFFFFFF  }
0xa7: {  	s28 =	simm.s32 $_size_execute0_lowered;
	s2 =	sadd.s32 s2, s4;
	[dreg:$0x0] =	wrdreg $0x0  }
0xa8: {  	s4 =	sshll.u32 s28, $0x1;
	[dreg:$0x2] =	wrdreg s2  }
0xa9: {  	[dreg:$0x3] =	wrdreg s4  }
0xaa: {  	[dreg:$0x4] =	wrdreg $0xC0  }
0xab: {  	_ =	task [dreg:s6], $0x5FFFF  }
0xac: {  	[dreg:$0x1] =	wrdreg $0xFFFFFFFF  }
0xad: {  	[dreg:$0x0] =	wrdreg $0x60  }
0xae: {  	[dreg:$0x2] =	wrdreg s24  }
0xaf: {  	[dreg:$0x3] =	wrdreg $0x6C000  }
0xb0: {  	[dreg:$0x4] =	wrdreg $0x9  }
0xb1: {  	_ =	task.clear_ibuf [dreg:s6], $0x5FFFF;
	_ =	strace $0x90000046  }
0xb2: {  	s29 =	simm.s32 $0x9;
	_ =	strace $0x80000048  }
0xb3: {  	_ =	swait.ge [sflag:s29], $0x1  }
0xb4: {  	[sflag:s29] =	ssyncadd.s32 $0xFFFFFFFF  }
0xb5: {  	_ =	strace $0x90000048  }
0xb6: {  	_ =	sfence  }
0xb7: {  	s30 =	sld [smem:$0x0];
	_ =	sdelay $0x2  }
0xb8: {  	s31 =	sshll.u32 s1, $0xD;
	s1 =	sshrl.u32 s1, $0x2  }
0xb9: {  	s3 =	sand.u32 $0x4000, s31;
	s1 =	sadd.s32 s1, s30  }
0xba: {  	s0 =	sor.u32 s3, s0;
	s1 =	sshll.u32 s1, $0x11  }
0xbb: {  	s0 =	sor.u32 s1, s0  }
0xbc: {  	s0 =	sadd.s32 $0x8F2B, s0  }
0xbd: {  	[sflag:s0] =	ssyncadd.remote.s32 $0x1  }
0xbe: {  	_ =	sfence.sel $0xFFFF  }
0xbf: {  	[dreg:$0x0] =	wrdreg $0xFFFFFFFF;
	(pc) =	sbr.abs _section_cstart, $3  }
0xc0: {  	[dreg:$0x1] =	wrdreg $0xFFFFFFFF  }
0xc1: {  	_ =	task.clear_ibuf [dreg:s6], $0x2FFFF;
	_ =	strace $0x9FFFFFFF  }
0xc2: {  	(tm) =	ssettm $0x7FFFFFFF  }
0xc3: {  	_ =	shalt  }
tec
execute0_lowered:
.L_overlay_start_1:
0x0: {  	(tag) =	ssettag $0x1  }
0x1: {  	s5 =	rddreg [dreg:$0x0]  }
0x2: {  	s2 =	rddreg [dreg:$0x1]  }
0x3: {  	s0 =	srdreg.scid;
	s1 =	rddreg [dreg:$0x2]  }
0x4: {  	s3 =	simm.s32 $0x0;
	s11 =	simm.s32 $0x2;
	s4 =	sand.u32 $0x1, s0  }
0x5: {  	s12 =	simm.s32 $0x6800;
	s0 =	stileid.u32;
	s6 =	smul.u32 $0x64000, s4  }
0x6: {  	s13 =	simm.s32 $0x80;
	s14 =	simm.s32 $0x1;
	s7 =	smul.u32 $0x6400, s0  }
0x7: {  	s15 =	simm.s32 $0x0;
	[smem:$0x7FF] =	sst s3;
	s8 =	smul.u32 $0x61C00, s4  }
0x8: {  	s9 =	sshll.u32 s0, $0xA;
	_ =	strace $0x80000047;
	s30 =	ssub.s32 $0x2, s4  }
0x9: {  	s4 =	sadd.s32 $0x1BE00, s5;
	s6 =	sadd.s32 s7, s6;
	s29 =	sadd.s32 s9, s8  }
0xa: {  	s31 =	sshrl.u32 s30, $0x1;
	s6 =	sshrl.u32 s6, $0x3;
	s7 =	sshrl.u32 s29, $0x3  }
0xb: {  	s8 =	sadd.s32 s9, s2;
	s6 =	sadd.s32 s6, s5;
	s10 =	sadd.s32 s7, s5  }
0xc: {  	s7 =	ssub.s32 s30, s31;
	s5 =	sadd.s32 $0x1BE80, s5;
	s6 =	sadd.s32 $0x1C000, s6  }
0xd: {  	s7 =	smax.u32 s7, $0x1;
	s9 =	sadd.s32 $0x35000, s10;
	s10 =	simm.s32 $0x6400  }
.LBB2_1:
0xe: {  	[tilespmem:s10], [sflag:$0x2] =	stream.linear.gather [hbm4b:s4+s3], $0x400, $0x38;
	[tilespmem:$0xCDC0] =	vst v63  }
0xf: {  	_ =	swait.ge [sflag:s11], $0x400  }
0x10: {  	[sflag:s11] =	ssyncset.done $0x0  }
0x11: {  	[sflag:s11] =	ssyncadd.s32 $0xFFFFFC00  }
0x12: {  	[tilespmem:s12], [sflag:$0x2] =	stream.linear.gather [hbm4b:s5+s3], $0x400, $0x38;
	[tilespmem:$0xCDC0] =	vst v63  }
0x13: {  	s16 =	sadd.s32 $0x0, s0;
	_ =	swait.ge [sflag:s11], $0x400  }
0x14: {  	p0 =	sgt.u32 s16, $0x186;
	[sflag:s11] =	ssyncset.done $0x0  }
0x15: {  	s16 =	simm.s32 @!p0 $0x6800;
	s19 =	simm.s32 @!p0 $0x2;
	[sflag:s11] =	ssyncadd.s32 $0xFFFFFC00  }
0x16: {  	[spmem:s8] =	stream.linear.scatter @!p0 [tilespmem:s16], [sflag:$0x2], $0x400, $0x38;
	[tilespmem:$0xCDC0] =	vst v63  }
0x17: {  	s17 =	simm.s32 $0x10;
	_ =	swait.ge @!p0 [sflag:s19], $0x400  }
0x18: {  	s18 =	simm.s32 $0x20;
	s16 =	sadd.s32 $0x4000, s8;
	[sflag:s19] =	ssyncset.done @!p0 $0x0  }
.LBB2_2:
0x19: {  	s20 =	sadd.s32 s17, s0;
	s17 =	smov.u32 s18;
	s18 =	sadd.s32 $0x10, s18  }
0x1a: {  	[sflag:s19] =	ssyncadd.s32 @!p0 $0xFFFFFC00;
	p1 =	sne.s32 s18, $0x190  }
.Ltmp0:
0x1b: {  	p0 =	sgt.u32 s20, $0x186;
	(pc) =	sbr.rel @p1 .LBB2_2-.Ltmp0, $4  }
0x1c: {  	s20 =	simm.s32 @!p0 $0x6800;
	s19 =	simm.s32 @!p0 $0x2  }
0x1d: {  	[spmem:s16] =	stream.linear.scatter @!p0 [tilespmem:s20], [sflag:$0x2], $0x400, $0x38;
	[tilespmem:$0xCDC0] =	vst v63  }
0x1e: {  	_ =	swait.ge @!p0 [sflag:s19], $0x400  }
0x1f: {  	s16 =	sadd.s32 $0x4000, s16;
	[sflag:s19] =	ssyncset.done @!p0 $0x0  }
0x20: {  	s17 =	sadd.s32 s17, s0  }
0x21: {  	p1 =	sgt.u32 s17, $0x186  }
0x22: {  	[sflag:s19] =	ssyncadd.s32 @!p0 $0xFFFFFC00;
	s17 =	simm.s32 @!p1 $0x6800;
	s18 =	simm.s32 @!p1 $0x2  }
0x23: {  	[spmem:s16] =	stream.linear.scatter @!p1 [tilespmem:s17], [sflag:$0x2], $0x400, $0x38;
	[tilespmem:$0xCDC0] =	vst v63  }
0x24: {  	_ =	swait.ge @!p1 [sflag:s18], $0x400  }
0x25: {  	[sflag:s18] =	ssyncset.done @!p1 $0x0  }
0x26: {  	s16 =	simm.s32 $0x0;
	[sflag:s18] =	ssyncadd.s32 @!p1 $0xFFFFFC00  }
0x27: {  	[tilespmem:s16], [sflag:$0x2] =	stream.linear.gather [hbm4b:s6+s16], $0x6400, $0x38;
	[tilespmem:$0xCDC0] =	vst v63  }
0x28: {  	_ =	swait.ge [sflag:s11], $0x6400  }
0x29: {  	[sflag:s11] =	ssyncset.done $0x0  }
0x2a: {  	p0 =	por $0x1, $0x1;
	[sflag:s11] =	ssyncadd.s32 $0xFFFF9C00  }
0x2b: {  	s18 =	simm.s32 @!p0 $0x1;
	[bflag:$0x0] =	sbarrier.arrive $0xFFFF  }
0x2c: {  	[spmem:s2] =	stream.indirect.scatter.add.f32 [tilespmem:s10], [sflag:$0x1], $0x8, s16, s13, $0xb8;
	[tilespmem:$0xCDC0] =	vst v63  }
0x2d: {  	_ =	swait.ge @!p0 [sflag:s18], $0x400  }
0x2e: {  	s17 =	simm.s32 $0x1;
	[sflag:s18] =	ssyncset.done @!p0 $0x0  }
.LBB2_4:
0x2f: {  	[sflag:s18] =	ssyncadd.s32 @!p0 $0xFFFFFC00  }
0x30: {  	s16 =	sadd.s32 $0x80, s16;
	s18 =	smov.u32 s17;
	s17 =	sadd.s32 $0x1, s17  }
0x31: {  	p1 =	sne.s32 s17, $0xC8  }
0x32: {  	[spmem:s2] =	stream.indirect.scatter.add.f32 [tilespmem:s10], [sflag:$0x1], $0x8, s16, s13, $0xb8;
	[tilespmem:$0xCDC0] =	vst v63  }
.Ltmp1:
0x33: {  	_ = 	snop;
	(pc) =	sbr.rel @p1 .LBB2_4-.Ltmp1, $4  }
0x34: {  	p0 =	slt.u32 s18, $0xC  }
0x35: {  	s18 =	simm.s32 @!p0 $0x1  }
0x36: {  	_ =	swait.ge @!p0 [sflag:s18], $0x400  }
0x37: {  	[sflag:s18] =	ssyncset.done @!p0 $0x0  }
0x38: {  	[sflag:s18] =	ssyncadd.s32 @!p0 $0xFFFFFC00  }
0x39: {  	_ =	swait.ge [sflag:s14], $0x400  }
0x3a: {  	[sflag:s14] =	ssyncset.done $0x0  }
0x3b: {  	[sflag:s14] =	ssyncadd.s32 $0xFFFFFC00  }
0x3c: {  	_ =	swait.ge [sflag:s14], $0x400  }
0x3d: {  	[sflag:s14] =	ssyncset.done $0x0  }
0x3e: {  	[sflag:s14] =	ssyncadd.s32 $0xFFFFFC00  }
0x3f: {  	_ =	swait.ge [sflag:s14], $0x400  }
0x40: {  	[sflag:s14] =	ssyncset.done $0x0  }
0x41: {  	[sflag:s14] =	ssyncadd.s32 $0xFFFFFC00  }
0x42: {  	_ =	swait.ge [sflag:s14], $0x400  }
0x43: {  	[sflag:s14] =	ssyncset.done $0x0  }
0x44: {  	[sflag:s14] =	ssyncadd.s32 $0xFFFFFC00  }
0x45: {  	_ =	swait.ge [sflag:s14], $0x400  }
0x46: {  	[sflag:s14] =	ssyncset.done $0x0  }
0x47: {  	[sflag:s14] =	ssyncadd.s32 $0xFFFFFC00  }
0x48: {  	_ =	swait.ge [sflag:s14], $0x400  }
0x49: {  	[sflag:s14] =	ssyncset.done $0x0  }
0x4a: {  	[sflag:s14] =	ssyncadd.s32 $0xFFFFFC00  }
0x4b: {  	_ =	swait.ge [sflag:s14], $0x400  }
0x4c: {  	[sflag:s14] =	ssyncset.done $0x0  }
0x4d: {  	[sflag:s14] =	ssyncadd.s32 $0xFFFFFC00  }
0x4e: {  	_ =	swait.ge [sflag:s14], $0x400  }
0x4f: {  	[sflag:s14] =	ssyncset.done $0x0  }
0x50: {  	[sflag:s14] =	ssyncadd.s32 $0xFFFFFC00  }
0x51: {  	_ =	swait.ge [sflag:s14], $0x400  }
0x52: {  	[sflag:s14] =	ssyncset.done $0x0  }
0x53: {  	[sflag:s14] =	ssyncadd.s32 $0xFFFFFC00  }
0x54: {  	_ =	swait.ge [sflag:s14], $0x400  }
0x55: {  	[sflag:s14] =	ssyncset.done $0x0  }
0x56: {  	[sflag:s14] =	ssyncadd.s32 $0xFFFFFC00  }
0x57: {  	_ =	swait.ge [sflag:s14], $0x400  }
0x58: {  	[sflag:s14] =	ssyncset.done $0x0  }
0x59: {  	[sflag:s14] =	ssyncadd.s32 $0xFFFFFC00  }
0x5a: {  	s16 =	sadd.s32 $0x0, s0;
	_ =	swait.ge [sflag:s14], $0x400  }
0x5b: {  	p0 =	sgt.u32 s16, $0x186;
	[sflag:s14] =	ssyncset.done $0x0  }
0x5c: {  	s16 =	sshll.u32 @!p0 s0, $0x6;
	s17 =	sshrl.u32 @!p0 s8, $0x3;
	[sflag:s14] =	ssyncadd.s32 $0xFFFFFC00  }
0x5d: {  	s19 =	simm.s32 @!p0 $0x2;
	s16 =	sor.u32 @!p0 $0x1C02, s16;
	[bflag:$0x0] =	sbarrier.arrive $0xFFFF  }
0x5e: {  	[hbm:s9], [sflag:s16] =	dma.local @!p0 [spmem:s17], $0x80  }
0x5f: {  	s20 =	sadd.s32 $0x10, s0;
	s18 =	sadd.s32 $0x4000, s8;
	_ =	swait.ge @!p0 [sflag:s19], $0x80  }
0x60: {  	s17 =	simm.s32 $0x20;
	s16 =	sadd.s32 $0x800, s9;
	[sflag:s19] =	ssyncset.done @!p0 $0x0  }
.LBB2_6:
0x61: {  	[sflag:s19] =	ssyncadd.s32 @!p0 $0xFFFFFF80  }
0x62: {  	p0 =	sgt.u32 s20, $0x186;
	s20 =	smov.u32 s17;
	s17 =	sadd.s32 $0x10, s17  }
0x63: {  	p1 =	sne.s32 s17, $0x190  }
.Ltmp2:
0x64: {  	s19 =	sshll.u32 @!p0 s0, $0x6;
	s21 =	sshrl.u32 @!p0 s18, $0x3;
	(pc) =	sbr.rel @p1 .LBB2_6-.Ltmp2, $4  }
0x65: {  	s22 =	sor.u32 @!p0 $0x1C02, s19;
	s19 =	simm.s32 @!p0 $0x2  }
0x66: {  	[hbm:s16], [sflag:s22] =	dma.local @!p0 [spmem:s21], $0x80  }
0x67: {  	s16 =	sadd.s32 $0x800, s16;
	_ =	swait.ge @!p0 [sflag:s19], $0x80  }
0x68: {  	s20 =	sadd.s32 s20, s0;
	s18 =	sadd.s32 $0x4000, s18;
	[sflag:s19] =	ssyncset.done @!p0 $0x0  }
0x69: {  	p1 =	sgt.u32 s20, $0x186;
	[sflag:s19] =	ssyncadd.s32 @!p0 $0xFFFFFF80;
	s15 =	sadd.s32 $0x1, s15  }
0x6a: {  	s17 =	sshll.u32 @!p1 s0, $0x6;
	s18 =	sshrl.u32 @!p1 s18, $0x3;
	p0 =	sne.s32 s15, s7  }
.Ltmp3:
0x6b: {  	s19 =	simm.s32 @!p1 $0x2;
	s17 =	sor.u32 @!p1 $0x1C02, s17;
	(pc) =	sbr.rel @p0 .LBB2_1-.Ltmp3, $4  }
0x6c: {  	[hbm:s16], [sflag:s17] =	dma.local @!p1 [spmem:s18], $0x80  }
0x6d: {  	_ =	swait.ge @!p1 [sflag:s19], $0x80  }
0x6e: {  	[sflag:s19] =	ssyncset.done @!p1 $0x0  }
0x6f: {  	[sflag:s19] =	ssyncadd.s32 @!p1 $0xFFFFFF80  }
0x70: {  	_ =	sfence.sel $0x180000  }
0x71: {  	[bflag:$0x0] =	sbarrier.arrive $0xFFFF  }
0x72: {  	p0 =	sne.s32 s0, $0x0;
	_ =	strace $0x90000047  }
0x73: {  	s0 =	sadd.s32 @!p0 $0x100000, s1;
	[bflag:$0x2] =	sbarrier.arrive $0xFFFF  }
0x74: {  	[sflag:s0] =	ssyncadd.tile.s32 @!p0 $0x1;
	_ =	shalt  }
.Lfunc_end2:
_tile_overlayer_lowered:
.L_overlay_start_2:
0x75: {  	(tag) =	ssettag $0x2  }
0x76: {  	s0 =	rddreg [dreg:$0x0];
	s2 =	stileid.u32  }
0x77: {  	s1 =	rddreg [dreg:$0x1];
	p0 =	sne.s32 s2, $0x0  }
0x78: {  	s3 =	rddreg [dreg:$0x2];
	[bflag:$0x3] =	sbarrier.arrive $0xFFFF;
	s2 =	simm.s32 @!p0 $0x1C02  }
0x79: {  	[timem:s3], [sflag:s2] =	dma.local @!p0 [hbm:s0], s1  }
0x7a: {  	s0 =	simm.s32 @!p0 $0x2  }
0x7b: {  	_ =	swait.ge @!p0 [sflag:s0], s1  }
0x7c: {  	s1 =	ssub.s32 @!p0 $0x0, s1;
	[sflag:s0] =	ssyncset.done @!p0 $0x0  }
0x7d: {  	[sflag:s0] =	ssyncadd.s32 @!p0 s1  }
0x7e: {  	[bflag:$0x3] =	sbarrier.arrive $0xFFFF  }
0x7f: {  	_ =	shalt  }

// kernel: kernel.8.cloned.1.call-start
scs
__scs_entry_jumppad:
0x0: {  	(pc) =	sbr.rel $0x88, $3  }
0x1: {  	(tag) =	ssettag $0x0;
	lr =	simm.s32 $0x1  }
0x2: {  	[smem:$0x3F9A] =	sst lr;
	_ =	strace $0xD0000000  }
0x3: {  	_ = 	snop  }
0x4: {  	_ = 	snop  }
0x5: {  	_ = 	snop  }
0x6: {  	_ = 	snop  }
0x7: {  	_ = 	snop  }
__scs_overlays_trampoline_lowered:
0x8: {  	[smem:$0x3FA9] =	sst s0  }
0x9: {  	[smem:$0x3FAA] =	sst s1  }
0xa: {  	[smem:$0x3FAB] =	sst s2  }
0xb: {  	[smem:$0x3FAC] =	sst s3  }
0xc: {  	[smem:$0x3FAD] =	sst s4  }
0xd: {  	[smem:$0x3FAE] =	sst s5  }
0xe: {  	[smem:$0x3FAF] =	sst s6  }
0xf: {  	[smem:$0x3FB0] =	sst s7  }
0x10: {  	[smem:$0x3FB1] =	sst s8  }
0x11: {  	[smem:$0x3FB2] =	sst s9;
	s0 =	simm.s32 @!p0 $0x0  }
0x12: {  	s1 =	sld [smem:$0x3F98];
	s0 =	simm.s32 @p0 $0x1  }
0x13: {  	[smem:$0x3FB3] =	sst s0;
	s0 =	simm.s32 @!p1 $0x0  }
0x14: {  	s2 =	sld [smem:$0x3F97];
	s0 =	simm.s32 @p1 $0x1  }
0x15: {  	[smem:$0x3FB4] =	sst s0;
	s0 =	simm.s32 @!p2 $0x0  }
0x16: {  	s3 =	sld [smem:$0x3FDB];
	s0 =	simm.s32 @p2 $0x1  }
0x17: {  	s4 =	simm.s32 $0x1BF5;
	[smem:$0x3FB6] =	sst s0  }
0x18: {  	s0 =	sld [smem:$0x3F99];
	_ =	swait.ge [sflag:s4], $0x0  }
0x19: {  	s7 =	sld [smem:$0x3F9A]  }
0x1a: {  	s8 =	sadd.s32 $0xFFFFE003, lr  }
0x1b: {  	s9 =	sadd.s32 $0xFFFFFEF7, lr;
	s5 =	simm.s32 $0xFFFFFFFF;
	p2 =	slt.u32 s8, $0xFFFFF086  }
0x1c: {  	p1 =	slt.u32 s9, $0xF7A;
	s5 =	simm.s32 @!p2 $0x0  }
0x1d: {  	s5 =	simm.s32 @p1 $0x1;
	p0 =	seq.s32 s7, s2  }
0x1e: {  	s7 =	smul.u32 @!p0 $0xF7A, s2;
	p2 =	seq.s32 @!p0 s5, $0x0  }
0x1f: {  	s9 =	smul.u32 $0xF7A, s1;
	s8 =	simm.s32 @!p0 $0x1BF5;
	p2 =	por !p2, p0  }
0x20: {  	[sflag:s8] =	ssyncset.s32 @!p0 $0xFFFFF086;
	s6 =	sadd.s32 @!p0 s3, s7;
	s7 =	simm.s32 @!p0 $0x108  }
0x21: {  	s3 =	sadd.s32 s3, s9;
	s6 =	sadd.s32 @!p0 $0x88, s6;
	s7 =	simm.s32 @p2 $0x1082  }
0x22: {  	[simem:s7], [sflag:s8] =	dma.local @!p0 [hbm:s6], $0xF7A  }
0x23: {  	s9 =	sor.u32 $0xD0000000, s2;
	s6 =	simm.s32 $0x108;
	_ =	swait.ge @!p0 [sflag:s8], $0x0  }
0x24: {  	s3 =	sadd.s32 $0x88, s3;
	s6 =	simm.s32 @!p1 $0x1082;
	[sflag:s4] =	ssyncset.s32 $0xFFFFF086  }
0x25: {  	[simem:s6], [sflag:s4] =	dma.local [hbm:s3], $0xF7A  }
0x26: {  	[smem:$0x3F9A] =	sst s1;
	(tag) =	ssettag s2;
	_ =	strace s9  }
0x27: {  	s1 =	sld [smem:$0x3FAA]  }
0x28: {  	s2 =	sld [smem:$0x3FAB]  }
0x29: {  	s4 =	sld [smem:$0x3FAD]  }
0x2a: {  	p0 =	seq.s32 s5, $0x0;
	s5 =	sld [smem:$0x3FAE]  }
0x2b: {  	s6 =	sld [smem:$0x3FAF]  }
0x2c: {  	s7 =	sld [smem:$0x3FB0]  }
0x2d: {  	s3 =	simm.s32 $0x108;
	s8 =	sld [smem:$0x3FB1]  }
0x2e: {  	s3 =	simm.s32 @!p0 $0x1082;
	s9 =	sld [smem:$0x3FB2]  }
0x2f: {  	lr =	sadd.s32 s0, s3;
	s0 =	sld [smem:$0x3FA9]  }
0x30: {  	s3 =	sld [smem:$0x3FAC]  }
0x31: {  	[smem:$0x3FB5] =	sst s10  }
0x32: {  	s10 =	sld [smem:$0x3FB3];
	_ =	sdelay $0x3  }
0x33: {  	p0 =	seq.s32 s10, $0x1;
	s10 =	sld [smem:$0x3FB5];
	_ =	sdelay $0x3  }
0x34: {  	[smem:$0x3FB5] =	sst s10  }
0x35: {  	s10 =	sld [smem:$0x3FB4];
	_ =	sdelay $0x3  }
0x36: {  	p1 =	seq.s32 s10, $0x1;
	s10 =	sld [smem:$0x3FB5];
	_ =	sdelay $0x3  }
0x37: {  	[smem:$0x3FB5] =	sst s10  }
0x38: {  	s10 =	sld [smem:$0x3FB6]  }
0x39: {  	_ = 	snop;
	(pc) =	sbr.ind lr, $3  }
0x3a: {  	_ = 	snop  }
0x3b: {  	_ = 	snop  }
0x3c: {  	p2 =	seq.s32 s10, $0x1;
	s10 =	sld [smem:$0x3FB5]  }
0x3d: {  	_ =	shalt  }
0x3e: {  	_ =	shalt  }
0x3f: {  	_ =	shalt  }
0x40: {  	_ =	shalt  }
0x41: {  	_ =	shalt  }
0x42: {  	_ =	shalt  }
0x43: {  	_ =	shalt  }
0x44: {  	_ =	shalt  }
0x45: {  	_ =	shalt  }
0x46: {  	_ =	shalt  }
0x47: {  	_ =	shalt  }
0x48: {  	_ =	shalt  }
0x49: {  	_ =	shalt  }
0x4a: {  	_ =	shalt  }
0x4b: {  	_ =	shalt  }
0x4c: {  	_ =	shalt  }
0x4d: {  	_ =	shalt  }
0x4e: {  	_ =	shalt  }
0x4f: {  	_ =	shalt  }
0x50: {  	_ =	shalt  }
0x51: {  	_ =	shalt  }
0x52: {  	_ =	shalt  }
0x53: {  	_ =	shalt  }
0x54: {  	_ =	shalt  }
0x55: {  	_ =	shalt  }
0x56: {  	_ =	shalt  }
0x57: {  	_ =	shalt  }
0x58: {  	_ =	shalt  }
0x59: {  	_ =	shalt  }
0x5a: {  	_ =	shalt  }
0x5b: {  	_ =	shalt  }
0x5c: {  	_ =	shalt  }
0x5d: {  	_ =	shalt  }
0x5e: {  	_ =	shalt  }
0x5f: {  	_ =	shalt  }
0x60: {  	_ =	shalt  }
0x61: {  	_ =	shalt  }
0x62: {  	_ =	shalt  }
0x63: {  	_ =	shalt  }
0x64: {  	_ =	shalt  }
0x65: {  	_ =	shalt  }
0x66: {  	_ =	shalt  }
0x67: {  	_ =	shalt  }
0x68: {  	_ =	shalt  }
0x69: {  	_ =	shalt  }
0x6a: {  	_ =	shalt  }
0x6b: {  	_ =	shalt  }
0x6c: {  	_ =	shalt  }
0x6d: {  	_ =	shalt  }
0x6e: {  	_ =	shalt  }
0x6f: {  	_ =	shalt  }
0x70: {  	_ =	shalt  }
0x71: {  	_ =	shalt  }
0x72: {  	_ =	shalt  }
0x73: {  	_ =	shalt  }
0x74: {  	_ =	shalt  }
0x75: {  	_ =	shalt  }
0x76: {  	_ =	shalt  }
0x77: {  	_ =	shalt  }
0x78: {  	_ =	shalt  }
0x79: {  	_ =	shalt  }
0x7a: {  	_ =	shalt  }
0x7b: {  	_ =	shalt  }
0x7c: {  	_ =	shalt  }
0x7d: {  	_ =	shalt  }
0x7e: {  	_ =	shalt  }
0x7f: {  	_ =	shalt  }
0x80: {  	_ =	shalt  }
0x81: {  	_ =	shalt  }
0x82: {  	_ =	shalt  }
0x83: {  	_ =	shalt  }
0x84: {  	_ =	shalt  }
0x85: {  	_ =	shalt  }
0x86: {  	_ =	shalt  }
0x87: {  	_ =	shalt  }
.Lfunc_end0:
.L_simem_size_0:
called_computation.1_lowered:
.L_overlay_start_0:
0x88: {  	s2 =	sld [smem:$0x3FD9]  }
0x89: {  	s3 =	sld [smem:$0x3FFE];
	_ =	sdelay $0x1  }
0x8a: {  	s1 =	srdreg.scid  }
0x8b: {  	s0 =	sand.u32 $0x1, s1  }
0x8c: {  	s17 =	sshll.u32 s0, $0xA;
	s2 =	sadd.s32 s3, s2  }
0x8d: {  	s2 =	sadd.s32 s2, s17  }
0x8e: {  	[smem:$0x3FC1] =	sst s2  }
0x8f: {  	_ = 	snop  }
0x90: {  	(tm) =	ssettm $0x1  }
0x91: {  	s18 =	sld [smem:$0x3FFB];
	_ =	sdelay $0x3  }
0x92: {  	_ =	strace s18  }
0x93: {  	s2 =	sld [smem:$0x3FFC];
	_ =	sdelay $0x3  }
0x94: {  	_ =	strace s2  }
0x95: {  	s2 =	sld [smem:$0x3FFD];
	_ =	sdelay $0x3  }
0x96: {  	_ =	strace s2  }
0x97: {  	_ =	strace $0x8FFFFFFF  }
0x98: {  	s19 =	sld [smem:$0x3FDB];
	_ =	sdelay $0x1  }
0x99: {  	s20 =	simm.s32 $_scs_section_size  }
0x9a: {  	s4 =	simm.s32 $_size__tile_overlayer_lowered;
	s5 =	simm.s32 $_tile_overlayer_lowered  }
0x9b: {  	s6 =	simm.s32 $0x1BFF;
	s21 =	sshll.u32 s5, $0x1;
	s3 =	sadd.s32 s20, s19  }
0x9c: {  	s22 =	simm.s32 $0x0;
	s4 =	sshll.u32 s4, $0x1;
	s5 =	sadd.s32 s21, s3  }
0x9d: {  	[timem:s22], [sflag:s6] =	dma.local [hbm:s5], s4  }
0x9e: {  	_ =	swait.ge [sflag:s6], s4  }
0x9f: {  	s4 =	ssub.s32 $0x0, s4;
	[sflag:s6] =	ssyncset.done $0x0  }
0xa0: {  	[sflag:s6] =	ssyncadd.s32 s4;
	_ =	sdelay $0x1  }
0xa1: {  	s23 =	simm.s32 $0x1B8B  }
0xa2: {  	_ =	swait.ge [sflag:s23], $0x1  }
0xa3: {  	[sflag:s23] =	ssyncset.done $0x0  }
0xa4: {  	[sflag:s23] =	ssyncadd.s32 $0xFFFFFFFF  }
0xa5: {  	s4 =	sld [smem:$0x0]  }
0xa6: {  	s5 =	sand.u32 $0xFFFFFFFE, s1  }
0xa7: {  	p0 =	sne.s32 s1, s5  }
0xa8: {  	s5 =	sshll.u32 @p0 s5, $0xE  }
0xa9: {  	s5 =	sadd.s32 @p0 $0x11B8D, s5;
	s6 =	sshll.u32 @p0 s4, $0x11  }
0xaa: {  	s5 =	sor.u32 @p0 s6, s5  }
0xab: {  	[sflag:s5] =	ssyncadd.remote.s32 @p0 $0x1;
	_ =	sdelay $0x1  }
0xac: {  	s5 =	simm.s32 @p0 $0x1B8D  }
0xad: {  	_ =	swait.eq @p0 [sflag:s5], $0x1  }
0xae: {  	[sflag:s5] =	ssyncadd.s32 @p0 $0xFFFFFFFF  }
0xaf: {  	s6 =	sshll.u32 @!p0 s1, $0xE  }
0xb0: {  	s6 =	sor.u32 @!p0 $0x4000, s6;
	s5 =	simm.s32 @!p0 $0x1B8D  }
0xb1: {  	s4 =	sshll.u32 @!p0 s4, $0x11;
	s6 =	sadd.s32 @!p0 $0x11B8D, s6;
	_ =	swait.eq @!p0 [sflag:s5], $0x1  }
0xb2: {  	s4 =	sor.u32 @!p0 s4, s6;
	[sflag:s5] =	ssyncadd.s32 @!p0 $0xFFFFFFFF  }
0xb3: {  	s25 =	simm.s32 $0x1B8E;
	s24 =	sld [smem:$0x3FFE];
	[sflag:s4] =	ssyncadd.remote.s32 @!p0 $0x1  }
0xb4: {  	s26 =	simm.s32 $execute0_lowered;
	[smem:$0x3FD2] =	sst s25  }
0xb5: {  	s5 =	sshll.u32 s26, $0x1;
	_ =	strace $0x80000049;
	[dreg:$0x1] =	wrdreg $0xFFFFFFFF  }
0xb6: {  	s28 =	simm.s32 $_size_execute0_lowered;
	s3 =	sadd.s32 s3, s5;
	[dreg:$0x0] =	wrdreg $0x0  }
0xb7: {  	s5 =	sshll.u32 s28, $0x1;
	[dreg:$0x2] =	wrdreg s3  }
0xb8: {  	[dreg:$0x3] =	wrdreg s5  }
0xb9: {  	[dreg:$0x4] =	wrdreg $0xC0  }
0xba: {  	_ =	task [dreg:s22], $0x5FFFF  }
0xbb: {  	[dreg:$0x1] =	wrdreg $0xFFFFFFFF  }
0xbc: {  	[dreg:$0x0] =	wrdreg $0x60  }
0xbd: {  	[dreg:$0x2] =	wrdreg s24  }
0xbe: {  	[dreg:$0x3] =	wrdreg $0x44000  }
0xbf: {  	[dreg:$0x4] =	wrdreg $0xA  }
0xc0: {  	_ =	task.clear_ibuf [dreg:s22], $0x5FFFF;
	_ =	strace $0x90000049  }
0xc1: {  	s29 =	simm.s32 $0xA;
	_ =	strace $0x8000004B  }
0xc2: {  	_ =	swait.ge [sflag:s29], $0x1  }
0xc3: {  	[sflag:s29] =	ssyncadd.s32 $0xFFFFFFFF  }
0xc4: {  	_ =	strace $0x9000004B  }
0xc5: {  	_ =	sfence  }
0xc6: {  	s30 =	sld [smem:$0x0];
	_ =	sdelay $0x2  }
0xc7: {  	s31 =	sshll.u32 s1, $0xD;
	s1 =	sshrl.u32 s1, $0x2  }
0xc8: {  	s4 =	sand.u32 $0x4000, s31;
	s1 =	sadd.s32 s1, s30  }
0xc9: {  	s0 =	sor.u32 s4, s0;
	s1 =	sshll.u32 s1, $0x11  }
0xca: {  	s0 =	sor.u32 s1, s0  }
0xcb: {  	s0 =	sadd.s32 $0x8F2B, s0  }
0xcc: {  	[sflag:s0] =	ssyncadd.remote.s32 $0x1  }
0xcd: {  	_ =	sfence.sel $0xFFFF  }
0xce: {  	[dreg:$0x0] =	wrdreg $0xFFFFFFFF;
	(pc) =	sbr.abs _section_cstart, $3  }
0xcf: {  	[dreg:$0x1] =	wrdreg $0xFFFFFFFF  }
0xd0: {  	_ =	task.clear_ibuf [dreg:s22], $0x2FFFF;
	_ =	strace $0x9FFFFFFF  }
0xd1: {  	(tm) =	ssettm $0x7FFFFFFF  }
tec
execute0_lowered:
.L_overlay_start_1:
0x0: {  	(tag) =	ssettag $0x1  }
0x1: {  	s0 =	rddreg [dreg:$0x0]  }
0x2: {  	s1 =	rddreg [dreg:$0x1]  }
0x3: {  	s3 =	simm.s32 $0x0;
	s2 =	srdreg.scid;
	s17 =	simm.s32 $0x80  }
0x4: {  	s19 =	simm.s32 $0x280;
	s20 =	simm.s32 $0x100;
	s21 =	simm.s32 $0x1  }
0x5: {  	s28 =	simm.s32 $0x380;
	s29 =	simm.s32 $0x3;
	s30 =	simm.s32 $0x180  }
0x6: {  	[smem:$0x7FF] =	sst s3;
	s4 =	sand.u32 $0x1, s2;
	s2 =	stileid.u32  }
0x7: {  	s6 =	sadd.s32 $0xAF400, s0;
	s10 =	sadd.s32 $0x1C000, s0;
	s5 =	smul.u32 $0x187000, s4  }
0x8: {  	_ =	strace $0x8000004A;
	s7 =	sshll.u32 s2, $0xC;
	s8 =	ssub.s32 $0x2, s4  }
0x9: {  	s9 =	smul.u32 $0xC800, s2;
	p0 =	seq.s32 s4, $0x0;
	s4 =	simm.s32 $0x4D800  }
0xa: {  	s26 =	smul.u32 $0x1900, s2;
	s11 =	sshrl.u32 s8, $0x1;
	s4 =	simm.s32 @!p0 $0x7E600  }
0xb: {  	s18 =	sadd.s32 s7, s1;
	s5 =	sadd.s32 s7, s5;
	s8 =	ssub.s32 s8, s11  }
0xc: {  	s9 =	sshrl.u32 s9, $0x3;
	s13 =	sadd.s32 s26, s10;
	s14 =	sadd.s32 s26, s6  }
0xd: {  	s7 =	simm.s32 $0xA;
	[dreg:$0xa] =	wrdreg s18;
	s26 =	simm.s32 $0x400  }
0xe: {  	s5 =	sshrl.u32 s5, $0x3;
	s22 =	sadd.s32 s6, s9;
	s23 =	sadd.s32 s10, s9  }
0xf: {  	s24 =	sor.u32 $0x10, s9;
	s9 =	sor.u32 $0x20, s9;
	[dreg:$0x3] =	wrdreg s22  }
0x10: {  	s8 =	smax.u32 s8, $0x1;
	s5 =	sadd.s32 s5, s0;
	[dreg:$0x4] =	wrdreg s23  }
0x11: {  	s12 =	sadd.s32 s6, s24;
	s11 =	sadd.s32 s10, s24;
	[dreg:$0x9] =	wrdreg s8  }
0x12: {  	s25 =	sadd.s32 s6, s9;
	s9 =	sadd.s32 s10, s9;
	[dreg:$0x5] =	wrdreg s12  }
0x13: {  	s23 =	simm.s32 $0x2;
	s22 =	simm.s32 $0x1400;
	[dreg:$0x6] =	wrdreg s11  }
0x14: {  	s6 =	simm.s32 $0x7;
	s8 =	simm.s32 $0x8;
	[dreg:$0x7] =	wrdreg s25  }
0x15: {  	[dreg:$0x8] =	wrdreg s9;
	s11 =	sadd.s32 s4, s0;
	s31 =	sadd.s32 $0xC8400, s5  }
0x16: {  	s0 =	simm.s32 $0x9;
	s4 =	simm.s32 $0x4;
	s9 =	simm.s32 $0xB  }
0x17: {  	v0 =	vimm.f32 $0.0e+00;
	s5 =	simm.s32 $0x0;
	s25 =	simm.s32 $0x2400;
	[dreg:$0xb] =	wrdreg s31  }
.LBB2_1:
0x18: {  	s10 =	simm.s32 $0x0  }
.LBB2_2:
0x19: {  	p0 =	sne.s32 s10, $0x3F80  }
.Ltmp0:
0x1a: {  	_ = 	snop;
	(pc) =	sbr.rel @p0 .LBB2_2-.Ltmp0, $4  }
0x1b: {  	_ = 	snop  }
0x1c: {  	s12 =	sshra.s32 s10, $0x2  }
0x1d: {  	[tilespmem:s12+$0x400] =	vst v0  }
0x1e: {  	s10 =	sadd.s32 $0x80, s10;
	[tilespmem:s12+$0x410] =	vst v0  }
0x1f: {  	s10 =	sadd.s32 $0x0, s2  }
0x20: {  	p0 =	sgt.u32 s10, $0x186  }
0x21: {  	[dreg:$0xc] =	wrdreg s5;
	s10 =	simm.s32 @!p0 $0x400;
	s16 =	simm.s32 @!p0 $0xD  }
0x22: {  	[spmem:s18] =	stream.linear.scatter @!p0 [tilespmem:s10], [sflag:$0xD], $0x1000, $0x38;
	[tilespmem:$0x1CB00] =	vst v63  }
0x23: {  	s12 =	simm.s32 $0x10;
	_ =	swait.ge @!p0 [sflag:s16], $0x1000  }
0x24: {  	s15 =	simm.s32 $0x20;
	s10 =	sadd.s32 $0x10000, s18;
	[sflag:s16] =	ssyncset.done @!p0 $0x0  }
.LBB2_4:
0x25: {  	s18 =	sadd.s32 s12, s2;
	s12 =	smov.u32 s15;
	s15 =	sadd.s32 $0x10, s15  }
0x26: {  	[sflag:s16] =	ssyncadd.s32 @!p0 $0xFFFFF000;
	p1 =	sne.s32 s15, $0x190  }
.Ltmp1:
0x27: {  	p0 =	sgt.u32 s18, $0x186;
	(pc) =	sbr.rel @p1 .LBB2_4-.Ltmp1, $4  }
0x28: {  	s18 =	simm.s32 @!p0 $0x400;
	s16 =	simm.s32 @!p0 $0xD  }
0x29: {  	[spmem:s10] =	stream.linear.scatter @!p0 [tilespmem:s18], [sflag:$0xD], $0x1000, $0x38;
	[tilespmem:$0x1CB00] =	vst v63  }
0x2a: {  	_ =	swait.ge @!p0 [sflag:s16], $0x1000  }
0x2b: {  	s10 =	sadd.s32 $0x10000, s10;
	[sflag:s16] =	ssyncset.done @!p0 $0x0  }
0x2c: {  	s12 =	sadd.s32 s12, s2  }
0x2d: {  	p1 =	sgt.u32 s12, $0x186  }
0x2e: {  	[sflag:s16] =	ssyncadd.s32 @!p0 $0xFFFFF000;
	s12 =	simm.s32 @!p1 $0x400;
	s15 =	simm.s32 @!p1 $0xD  }
0x2f: {  	[spmem:s10] =	stream.linear.scatter @!p1 [tilespmem:s12], [sflag:$0xD], $0x1000, $0x38;
	[tilespmem:$0x1CB00] =	vst v63  }
0x30: {  	_ =	swait.ge @!p1 [sflag:s15], $0x1000  }
0x31: {  	[sflag:s15] =	ssyncset.done @!p1 $0x0  }
0x32: {  	[sflag:s15] =	ssyncadd.s32 @!p1 $0xFFFFF000  }
0x33: {  	[bflag:$0x0] =	sbarrier.arrive $0xFFFF  }
0x34: {  	s15 =	simm.s32 $0x0;
	s16 =	rddreg [dreg:$0x3]  }
0x35: {  	[tilespmem:s15], [sflag:$0x1] =	stream.linear.gather [hbm4b:s16+s15], $0x80, $0x38;
	[tilespmem:$0x1CB00] =	vst v63  }
0x36: {  	s24 =	simm.s32 $0x200;
	s18 =	rddreg [dreg:$0x4]  }
0x37: {  	[tilespmem:s24], [sflag:$0x1] =	stream.linear.gather [hbm4b:s18+s15], $0x80, $0x38;
	[tilespmem:$0x1CB00] =	vst v63  }
0x38: {  	s5 =	rddreg [dreg:$0x5]  }
0x39: {  	[tilespmem:s17], [sflag:$0x2] =	stream.linear.gather [hbm4b:s5+s15], $0x80, $0x38;
	[tilespmem:$0x1CB00] =	vst v63  }
0x3a: {  	s12 =	rddreg [dreg:$0x6]  }
0x3b: {  	[tilespmem:s19], [sflag:$0x2] =	stream.linear.gather [hbm4b:s12+s15], $0x80, $0x38;
	[tilespmem:$0x1CB00] =	vst v63  }
0x3c: {  	s16 =	rddreg [dreg:$0x7]  }
0x3d: {  	[tilespmem:s20], [sflag:$0x3] =	stream.linear.gather [hbm4b:s16+s15], $0x80, $0x38;
	[tilespmem:$0x1CB00] =	vst v63  }
0x3e: {  	s18 =	rddreg [dreg:$0x8];
	s24 =	simm.s32 $0x300  }
0x3f: {  	[tilespmem:s24], [sflag:$0x3] =	stream.linear.gather [hbm4b:s18+s15], $0x80, $0x38;
	[tilespmem:$0x1CB00] =	vst v63  }
0x40: {  	_ =	swait.ge [sflag:s21], $0x80  }
0x41: {  	[sflag:s21] =	ssyncset.done $0x0  }
0x42: {  	[sflag:s21] =	ssyncadd.s32 $0xFFFFFF80  }
0x43: {  	_ =	swait.ge [sflag:s21], $0x80  }
0x44: {  	[sflag:s21] =	ssyncset.done $0x0  }
0x45: {  	s12 =	simm.s32 $0x400;
	[sflag:s21] =	ssyncadd.s32 $0xFFFFFF80  }
0x46: {  	[tilespmem:s12], [sflag:$0x5] =	stream.indirect.gather [hbm4b:s11+s17], $0x20, s15, s17, $0xb8;
	[tilespmem:$0x1CB00] =	vst v63  }
0x47: {  	_ =	swait.ge [sflag:s23], $0x80  }
0x48: {  	[sflag:s23] =	ssyncset.done $0x0  }
0x49: {  	[sflag:s23] =	ssyncadd.s32 $0xFFFFFF80  }
0x4a: {  	_ =	swait.ge [sflag:s23], $0x80  }
0x4b: {  	[sflag:s23] =	ssyncset.done $0x0  }
0x4c: {  	s31 =	simm.s32 $0x3400;
	[sflag:s23] =	ssyncadd.s32 $0xFFFFFF80  }
0x4d: {  	[tilespmem:s22], [sflag:$0x6] =	stream.indirect.gather [hbm4b:s11+s17], $0x20, s17, s17, $0xb8;
	[tilespmem:$0x1CB00] =	vst v63  }
.LBB2_6:
0x4e: {  	s5 =	simm.s32 $0x5  }
0x4f: {  	_ =	swait.ge [sflag:s5], $0x1000  }
0x50: {  	[sflag:s5] =	ssyncset.done $0x0  }
0x51: {  	s10 =	simm.s32 $0x200;
	p0 =	seq.s32 s15, $0x0;
	[sflag:s5] =	ssyncadd.s32 $0xFFFFF000  }
0x52: {  	[spmem:s1] =	stream.indirect.scatter.add.f32 [tilespmem:s12], [sflag:$0x9], $0x20, s10, s17, $0xb8;
	[tilespmem:$0x1CB00] =	vst v63  }
0x53: {  	s10 =	simm.s32 @!p0 $0xC  }
0x54: {  	_ =	swait.ge @!p0 [sflag:s10], $0x1000  }
0x55: {  	s12 =	sadd.s32 s15, s14;
	[sflag:s10] =	ssyncset.done @!p0 $0x0  }
0x56: {  	s18 =	sadd.s32 $0x30, s12;
	[sflag:s10] =	ssyncadd.s32 @!p0 $0xFFFFF000;
	s10 =	sadd.s32 s15, s13  }
0x57: {  	[tilespmem:s30], [sflag:$0x4] =	stream.linear.gather [hbm4b:s18+s3], $0x80, $0x38;
	[tilespmem:$0x1CB00] =	vst v63  }
0x58: {  	s16 =	sadd.s32 $0x30, s10  }
0x59: {  	[tilespmem:s28], [sflag:$0x4] =	stream.linear.gather [hbm4b:s16+s3], $0x80, $0x38;
	[tilespmem:$0x1CB00] =	vst v63  }
0x5a: {  	_ =	swait.ge [sflag:s29], $0x80  }
0x5b: {  	[sflag:s29] =	ssyncset.done $0x0  }
0x5c: {  	[sflag:s29] =	ssyncadd.s32 $0xFFFFFF80  }
0x5d: {  	_ =	swait.ge [sflag:s29], $0x80  }
0x5e: {  	[sflag:s29] =	ssyncset.done $0x0  }
0x5f: {  	[sflag:s29] =	ssyncadd.s32 $0xFFFFFF80  }
0x60: {  	[tilespmem:s25], [sflag:$0x7] =	stream.indirect.gather [hbm4b:s11+s17], $0x20, s20, s17, $0xb8;
	[tilespmem:$0x1CB00] =	vst v63  }
0x61: {  	s20 =	simm.s32 $0x6  }
0x62: {  	_ =	swait.ge [sflag:s20], $0x1000  }
0x63: {  	[sflag:s20] =	ssyncset.done $0x0  }
0x64: {  	[sflag:s20] =	ssyncadd.s32 $0xFFFFF000  }
0x65: {  	[spmem:s1] =	stream.indirect.scatter.add.f32 [tilespmem:s22], [sflag:$0xA], $0x20, s19, s17, $0xb8;
	[tilespmem:$0x1CB00] =	vst v63  }
0x66: {  	p0 =	seq.s32 s15, $0x18C0;
	_ =	swait.ge [sflag:s0], $0x1000  }
0x67: {  	s16 =	sadd.s32 @!p0 s15, s14;
	[sflag:s0] =	ssyncset.done $0x0  }
0x68: {  	s18 =	simm.s32 @!p0 $0x0;
	s16 =	sadd.s32 @!p0 $0x40, s16;
	[sflag:s0] =	ssyncadd.s32 $0xFFFFF000  }
0x69: {  	[tilespmem:s18], [sflag:$0x1] =	stream.linear.gather @!p0 [hbm4b:s16+s18], $0x80, $0x38;
	[tilespmem:$0x1CB00] =	vst v63  }
0x6a: {  	s16 =	sadd.s32 @!p0 s15, s13  }
0x6b: {  	s19 =	simm.s32 @!p0 $0x200;
	s16 =	sadd.s32 @!p0 $0x40, s16  }
0x6c: {  	[tilespmem:s19], [sflag:$0x1] =	stream.linear.gather @!p0 [hbm4b:s16+s18], $0x80, $0x38;
	[tilespmem:$0x1CB00] =	vst v63  }
0x6d: {  	_ =	swait.ge [sflag:s4], $0x80  }
0x6e: {  	[sflag:s4] =	ssyncset.done $0x0  }
0x6f: {  	[sflag:s4] =	ssyncadd.s32 $0xFFFFFF80  }
0x70: {  	_ =	swait.ge [sflag:s4], $0x80  }
0x71: {  	[sflag:s4] =	ssyncset.done $0x0  }
0x72: {  	[sflag:s4] =	ssyncadd.s32 $0xFFFFFF80  }
0x73: {  	[tilespmem:s31], [sflag:$0x8] =	stream.indirect.gather [hbm4b:s11+s17], $0x20, s30, s17, $0xb8;
	[tilespmem:$0x1CB00] =	vst v63  }
0x74: {  	_ =	swait.ge [sflag:s6], $0x1000  }
0x75: {  	[sflag:s6] =	ssyncset.done $0x0  }
.Ltmp2:
0x76: {  	[sflag:s6] =	ssyncadd.s32 $0xFFFFF000;
	(pc) =	sbr.rel @p0 .LBB2_8-.Ltmp2, $4  }
0x77: {  	[spmem:s1] =	stream.indirect.scatter.add.f32 [tilespmem:s25], [sflag:$0xB], $0x20, s24, s17, $0xb8;
	[tilespmem:$0x1CB00] =	vst v63  }
0x78: {  	s5 =	simm.s32 $0x380;
	s28 =	simm.s32 $0x1400;
	_ =	swait.ge [sflag:s7], $0x1000  }
0x79: {  	s20 =	simm.s32 $0x280;
	s22 =	simm.s32 $0x100;
	[sflag:s7] =	ssyncset.done $0x0  }
0x7a: {  	s18 =	simm.s32 $0x300;
	s19 =	simm.s32 $0x3400;
	[sflag:s7] =	ssyncadd.s32 $0xFFFFF000  }
0x7b: {  	s16 =	sadd.s32 $0x50, s12  }
0x7c: {  	[tilespmem:s17], [sflag:$0x2] =	stream.linear.gather [hbm4b:s16+s3], $0x80, $0x38;
	[tilespmem:$0x1CB00] =	vst v63  }
0x7d: {  	s24 =	sadd.s32 $0x50, s10  }
0x7e: {  	[tilespmem:s20], [sflag:$0x2] =	stream.linear.gather [hbm4b:s24+s3], $0x80, $0x38;
	[tilespmem:$0x1CB00] =	vst v63  }
0x7f: {  	_ =	swait.ge [sflag:s21], $0x80  }
0x80: {  	[sflag:s21] =	ssyncset.done $0x0  }
0x81: {  	[sflag:s21] =	ssyncadd.s32 $0xFFFFFF80  }
0x82: {  	_ =	swait.ge [sflag:s21], $0x80  }
0x83: {  	[sflag:s21] =	ssyncset.done $0x0  }
0x84: {  	[sflag:s21] =	ssyncadd.s32 $0xFFFFFF80  }
0x85: {  	[tilespmem:s26], [sflag:$0x5] =	stream.indirect.gather [hbm4b:s11+s17], $0x20, s3, s17, $0xb8;
	[tilespmem:$0x1CB00] =	vst v63  }
0x86: {  	_ =	swait.ge [sflag:s8], $0x1000  }
0x87: {  	[sflag:s8] =	ssyncset.done $0x0  }
0x88: {  	[sflag:s8] =	ssyncadd.s32 $0xFFFFF000  }
0x89: {  	[spmem:s1] =	stream.indirect.scatter.add.f32 [tilespmem:s19], [sflag:$0xC], $0x20, s5, s17, $0xb8;
	[tilespmem:$0x1CB00] =	vst v63  }
0x8a: {  	_ =	swait.ge [sflag:s9], $0x1000  }
0x8b: {  	[sflag:s9] =	ssyncset.done $0x0  }
0x8c: {  	s20 =	sadd.s32 $0x60, s12;
	[sflag:s9] =	ssyncadd.s32 $0xFFFFF000  }
0x8d: {  	[tilespmem:s22], [sflag:$0x3] =	stream.linear.gather [hbm4b:s20+s3], $0x80, $0x38;
	[tilespmem:$0x1CB00] =	vst v63  }
0x8e: {  	s24 =	sadd.s32 $0x60, s10  }
0x8f: {  	[tilespmem:s18], [sflag:$0x3] =	stream.linear.gather [hbm4b:s24+s3], $0x80, $0x38;
	[tilespmem:$0x1CB00] =	vst v63  }
0x90: {  	_ =	swait.ge [sflag:s23], $0x80  }
0x91: {  	[sflag:s23] =	ssyncset.done $0x0  }
0x92: {  	[sflag:s23] =	ssyncadd.s32 $0xFFFFFF80  }
.Ltmp3:
0x93: {  	s15 =	sadd.s32 $0x40, s15;
	_ =	swait.ge [sflag:s23], $0x80;
	(pc) =	sbr.rel .LBB2_6-.Ltmp3, $4  }
0x94: {  	s31 =	simm.s32 $0x3400;
	s12 =	simm.s32 $0x400;
	[sflag:s23] =	ssyncset.done $0x0  }
0x95: {  	s19 =	simm.s32 $0x280;
	s20 =	simm.s32 $0x100;
	[sflag:s23] =	ssyncadd.s32 $0xFFFFFF80  }
0x96: {  	[tilespmem:s28], [sflag:$0x6] =	stream.indirect.gather [hbm4b:s11+s17], $0x20, s17, s17, $0xb8;
	[tilespmem:$0x1CB00] =	vst v63  }
0x97: {  	s22 =	simm.s32 $0x1400;
	s24 =	simm.s32 $0x300;
	s28 =	simm.s32 $0x380  }
.LBB2_8:
0x98: {  	_ =	swait.ge [sflag:s8], $0x1000  }
0x99: {  	[sflag:s8] =	ssyncset.done $0x0  }
0x9a: {  	[sflag:s8] =	ssyncadd.s32 $0xFFFFF000  }
0x9b: {  	[spmem:s1] =	stream.indirect.scatter.add.f32 [tilespmem:s19], [sflag:$0xC], $0x20, s5, s17, $0xb8;
	[tilespmem:$0x1CB00] =	vst v63  }
0x9c: {  	_ =	swait.ge [sflag:s9], $0x1000  }
0x9d: {  	[sflag:s9] =	ssyncset.done $0x0  }
0x9e: {  	s31 =	simm.s32 $0xC;
	[sflag:s9] =	ssyncadd.s32 $0xFFFFF000  }
0x9f: {  	_ =	swait.ge [sflag:s31], $0x1000  }
0xa0: {  	[sflag:s31] =	ssyncset.done $0x0  }
0xa1: {  	s10 =	sadd.s32 $0x0, s2;
	[sflag:s31] =	ssyncadd.s32 $0xFFFFF000  }
0xa2: {  	s18 =	sadd.s32 $0x10, s2;
	p0 =	sgt.u32 s10, $0x186;
	[bflag:$0x0] =	sbarrier.arrive $0xFFFF  }
0xa3: {  	s10 =	sshll.u32 @!p0 s2, $0x6;
	s16 =	simm.s32 @!p0 $0xD;
	s5 =	rddreg [dreg:$0xa]  }
0xa4: {  	s10 =	sor.u32 @!p0 $0x1C0D, s10;
	s15 =	rddreg [dreg:$0xb];
	s12 =	sshrl.u32 @!p0 s5, $0x3  }
0xa5: {  	[hbm:s15], [sflag:s10] =	dma.local @!p0 [spmem:s12], $0x200  }
0xa6: {  	s28 =	simm.s32 $0x380;
	s12 =	simm.s32 $0x20;
	_ =	swait.ge @!p0 [sflag:s16], $0x200  }
0xa7: {  	s10 =	sadd.s32 $0x2000, s15;
	s15 =	sadd.s32 $0x10000, s5;
	[sflag:s16] =	ssyncset.done @!p0 $0x0  }
.LBB2_9:
0xa8: {  	[sflag:s16] =	ssyncadd.s32 @!p0 $0xFFFFFE00  }
0xa9: {  	p0 =	sgt.u32 s18, $0x186;
	s18 =	smov.u32 s12;
	s12 =	sadd.s32 $0x10, s12  }
0xaa: {  	p1 =	sne.s32 s12, $0x190  }
.Ltmp4:
0xab: {  	s16 =	sshll.u32 @!p0 s2, $0x6;
	s19 =	sshrl.u32 @!p0 s15, $0x3;
	(pc) =	sbr.rel @p1 .LBB2_9-.Ltmp4, $4  }
0xac: {  	s20 =	sor.u32 @!p0 $0x1C0D, s16;
	s16 =	simm.s32 @!p0 $0xD  }
0xad: {  	[hbm:s10], [sflag:s20] =	dma.local @!p0 [spmem:s19], $0x200  }
0xae: {  	s10 =	sadd.s32 $0x2000, s10;
	_ =	swait.ge @!p0 [sflag:s16], $0x200  }
0xaf: {  	s18 =	sadd.s32 s18, s2;
	s15 =	sadd.s32 $0x10000, s15;
	[sflag:s16] =	ssyncset.done @!p0 $0x0  }
0xb0: {  	p1 =	sgt.u32 s18, $0x186  }
0xb1: {  	[sflag:s16] =	ssyncadd.s32 @!p0 $0xFFFFFE00;
	s12 =	sshll.u32 @!p1 s2, $0x6  }
0xb2: {  	s15 =	sshrl.u32 @!p1 s15, $0x3;
	s16 =	simm.s32 @!p1 $0xD;
	s12 =	sor.u32 @!p1 $0x1C0D, s12  }
0xb3: {  	[hbm:s10], [sflag:s12] =	dma.local @!p1 [spmem:s15], $0x200  }
0xb4: {  	_ =	swait.ge @!p1 [sflag:s16], $0x200  }
0xb5: {  	s5 =	rddreg [dreg:$0xc]  }
0xb6: {  	s31 =	rddreg [dreg:$0x9];
	s5 =	sadd.s32 $0x1, s5  }
0xb7: {  	p0 =	sne.s32 s5, s31  }
.Ltmp5:
0xb8: {  	_ = 	snop;
	(pc) =	sbr.rel @p0 .LBB2_1-.Ltmp5, $3  }
0xb9: {  	_ =	sdelay $0x1  }
0xba: {  	s19 =	simm.s32 $0x280;
	s20 =	simm.s32 $0x100;
	[sflag:s16] =	ssyncset.done @!p1 $0x0  }
0xbb: {  	s22 =	simm.s32 $0x1400;
	s18 =	rddreg [dreg:$0xa];
	[sflag:s16] =	ssyncadd.s32 @!p1 $0xFFFFFE00  }
0xbc: {  	_ =	sfence.sel $0x180000  }
0xbd: {  	[bflag:$0x0] =	sbarrier.arrive $0xFFFF  }
0xbe: {  	_ =	strace $0x9000004A  }
0xbf: {  	[bflag:$0x2] =	sbarrier.arrive $0xFFFF  }
0xc0: {  	p0 =	sne.s32 s2, $0x0;
	s0 =	rddreg [dreg:$0x2]  }
0xc1: {  	s0 =	sadd.s32 @!p0 $0x100000, s0  }
0xc2: {  	[sflag:s0] =	ssyncadd.tile.s32 @!p0 $0x1;
	_ =	shalt  }
.Lfunc_end2:
_tile_overlayer_lowered:
.L_overlay_start_2:
0xc3: {  	(tag) =	ssettag $0x2  }
0xc4: {  	s0 =	rddreg [dreg:$0x0];
	s2 =	stileid.u32  }
0xc5: {  	s1 =	rddreg [dreg:$0x1];
	p0 =	sne.s32 s2, $0x0  }
0xc6: {  	s3 =	rddreg [dreg:$0x2];
	[bflag:$0x3] =	sbarrier.arrive $0xFFFF;
	s2 =	simm.s32 @!p0 $0x1C0D  }
0xc7: {  	[timem:s3], [sflag:s2] =	dma.local @!p0 [hbm:s0], s1  }
0xc8: {  	s0 =	simm.s32 @!p0 $0xD  }
0xc9: {  	_ =	swait.ge @!p0 [sflag:s0], s1  }
0xca: {  	s1 =	ssub.s32 @!p0 $0x0, s1;
	[sflag:s0] =	ssyncset.done @!p0 $0x0  }
0xcb: {  	[sflag:s0] =	ssyncadd.s32 @!p0 s1  }
0xcc: {  	[bflag:$0x3] =	sbarrier.arrive $0xFFFF  }
0xcd: {  	_ =	shalt  }

</sc_bundles>
